<compile_context>
chip_gen: v7x
topology: tpu7x:2x2x1
jax: 0.10.2.dev20260603
libtpu: 0.0.44.dev20260713+nightly
codegen_flags: <defaults>
</compile_context>

<pallas_src>
import functools

import jax
import jax.numpy as jnp
from jax import lax
from jax.experimental import pallas as pl
from jax.experimental.pallas import tpu as pltpu
from jax.experimental.pallas import tpu_sc as plsc

D = 256
NE = 8192
NZ = 8192
BETA = 0.25

ROWS = 2048
CHUNK = 2048
LANES = 128
NSTEPS = NZ // ROWS


def _bsq_body(emb_ref, b_ref):
    e = emb_ref[...]
    e2 = e * e
    s2 = e2[:, :LANES] + e2[:, LANES:]
    b_ref[...] = jnp.sum(s2.T, axis=0, keepdims=True)


_bsq_call = pl.pallas_call(
    _bsq_body,
    out_shape=jax.ShapeDtypeStruct((1, NE), jnp.float32),
)


def _argmin_body(zf_ref, emb_ref, b_ref, idx_ref, loss_ref):
    i = pl.program_id(0)

    zb = zf_ref[...]
    a = jnp.sum(zb * zb, axis=1, keepdims=True)
    a_bc = jnp.broadcast_to(a, (ROWS, LANES))
    zb2 = (zb + zb).astype(jnp.bfloat16)

    best_v = jnp.full((ROWS, LANES), jnp.inf, dtype=jnp.float32)
    best_t = jnp.zeros((ROWS, LANES), dtype=jnp.int32)

    for k in range(NE // CHUNK):
        ec = emb_ref[pl.ds(k * CHUNK, CHUNK), :].astype(jnp.bfloat16)
        c2 = lax.dot_general(zb2, ec, (((1,), (1,)), ((), ())),
                             preferred_element_type=jnp.float32)
        bk = b_ref[:, pl.ds(k * CHUNK, CHUNK)]
        for t in range(CHUNK // LANES):
            gt = k * (CHUNK // LANES) + t
            ct = lax.slice(c2, (0, t * LANES), (ROWS, (t + 1) * LANES))
            bt = lax.slice(bk, (0, t * LANES), (1, (t + 1) * LANES))
            tv = a_bc + bt
            v = tv - ct
            upd = v < best_v
            best_t = jnp.where(upd, jnp.int32(gt), best_t)
            best_v = jnp.minimum(best_v, v)

    lane = lax.broadcasted_iota(jnp.int32, (ROWS, LANES), 1)
    best_j = best_t * LANES + lane
    m = jnp.min(best_v, axis=1, keepdims=True)
    im = jnp.min(jnp.where(best_v == m, best_j, jnp.int32(2 ** 30)),
                 axis=1, keepdims=True)
    idx_ref[0] = im.reshape(ROWS // LANES, LANES)

    part = jnp.sum(m)
    tot = jnp.where(i == 0, part, loss_ref[0, 0] + part)
    scale = jnp.float32((1.0 + BETA) / (NZ * D))
    loss_ref[0, 0] = jnp.where(i == NSTEPS - 1, tot * scale, tot)


_argmin_call = pl.pallas_call(
    _argmin_body,
    grid=(NSTEPS,),
    in_specs=[
        pl.BlockSpec((ROWS, D), lambda i: (i, 0)),
        pl.BlockSpec((NE, D), lambda i: (0, 0)),
        pl.BlockSpec((1, NE), lambda i: (0, 0)),
    ],
    out_specs=[
        pl.BlockSpec((1, ROWS // LANES, LANES), lambda i: (i, 0, 0)),
        pl.BlockSpec(memory_space=pltpu.SMEM),
    ],
    out_shape=[
        jax.ShapeDtypeStruct((NSTEPS, ROWS // LANES, LANES), jnp.int32),
        jax.ShapeDtypeStruct((1, 1), jnp.float32),
    ],
    compiler_params=pltpu.CompilerParams(
        dimension_semantics=("arbitrary",)),
)


_info = plsc.get_sparse_core_info()
_NC, _NS = _info.num_cores, _info.num_subcores
_NW = _NC * _NS
_RPW = NZ // _NW
_GC = 128


@functools.partial(
    pl.kernel,
    mesh=plsc.VectorSubcoreMesh(core_axis_name="c", subcore_axis_name="s"),
    out_type=jax.ShapeDtypeStruct((NZ, D), jnp.float32),
    scratch_types=[
        pltpu.VMEM((_RPW // _GC, _GC), jnp.int32),
        pltpu.VMEM((_RPW // _GC, _GC, D), jnp.float32),
        pltpu.SemaphoreType.DMA,
    ],
)
def _gather_k(emb_hbm, idx_hbm, out_hbm, idx_v, rows_v, sem):
    wid = lax.axis_index("s") * _NC + lax.axis_index("c")
    base = wid * _RPW
    nch = _RPW // _GC
    for j in range(nch):
        pltpu.sync_copy(idx_hbm.at[pl.ds(base + j * _GC, _GC)], idx_v.at[j])
    cps = [pltpu.async_copy(emb_hbm.at[idx_v.at[j]], rows_v.at[j], sem)
           for j in range(nch)]
    for j in range(nch):
        cps[j].wait()
        pltpu.sync_copy(rows_v.at[j], out_hbm.at[pl.ds(base + j * _GC, _GC)])


def _st_body(zf_ref, zq_ref, out_ref):
    zb = zf_ref[...]
    out_ref[...] = zb + (zq_ref[...] - zb)


_ST_G = 4

_st_call = pl.pallas_call(
    _st_body,
    grid=(_ST_G,),
    in_specs=[
        pl.BlockSpec((NZ // _ST_G, D), lambda i: (i, 0)),
        pl.BlockSpec((NZ // _ST_G, D), lambda i: (i, 0)),
    ],
    out_specs=pl.BlockSpec((NZ // _ST_G, D), lambda i: (i, 0)),
    out_shape=jax.ShapeDtypeStruct((NZ, D), jnp.float32),
)


def kernel(z, emb):
    B, T, H, W, d = z.shape
    zf = z.reshape(-1, d)
    b = _bsq_call(emb)
    idx2, loss = _argmin_call(zf, emb, b)
    idx = idx2.reshape(-1)
    z_q = _gather_k(emb, idx)
    z_q_st = _st_call(zf, z_q)
    return (z_q_st.reshape(B, T, H, W, d), loss.reshape(()),
            idx.reshape(B, T, H, W))

# --- scband reference (transcript-rebuilt; emitter-appended) ---
"""Pipeline reference for scband-vector-quantizer-29652454212407 (READ-ONLY COPY).

The authoritative reference and input builder live on the scoring server;
editing this copy changes nothing except your own understanding.
"""

import jax, jax.numpy as jnp
import numpy as np

D_MODEL = 256
NUM_EMBEDDINGS = 8192
COMMITMENT_BETA = 0.25

def setup_inputs(seed: int = 0) -> dict:
    key = jax.random.key(seed)
    k1, k2 = jax.random.split(key)
    z = jax.random.normal(k1, (4, 8, 16, 16, D_MODEL), dtype=jnp.float32)
    bound = 1.0 / NUM_EMBEDDINGS
    emb = jax.random.uniform(k2, (NUM_EMBEDDINGS, D_MODEL), dtype=jnp.float32, minval=-bound, maxval=bound)
    return {"z": z, "emb": emb}

def reference(z, emb):
    B, T, H, W, d = z.shape
    zf = z.reshape(-1, d)
    distances = (jnp.sum(zf ** 2, axis=-1, keepdims=True)
                 + jnp.sum(emb ** 2, axis=-1)
                 - 2.0 * jnp.matmul(zf, emb.T))
    encoding_indices = jnp.argmin(distances, axis=-1)
    z_q = jnp.take(emb, encoding_indices, axis=0)
    codebook_loss = jnp.mean((jax.lax.stop_gradient(z_q) - zf) ** 2)
    commitment_loss = jnp.mean((z_q - jax.lax.stop_gradient(zf)) ** 2)
    total_loss = codebook_loss + commitment_loss * COMMITMENT_BETA
    z_q_st = zf + jax.lax.stop_gradient(z_q - zf)
    return (z_q_st.reshape(B, T, H, W, d), total_loss, encoding_indices.reshape(B, T, H, W))

if __name__ == "__main__":
    import jax
    _d = setup_inputs()
    print(jax.jit(kernel)(*tuple(_d.values())))

</pallas_src>

<mosaic_0001>
#map = affine_map<(d0, d1) -> (0, 0)>
#map1 = affine_map<(d0, d1) -> (0)>
module attributes {stable_mosaic.version = 14 : i64} {
  func.func @_gather_k(%arg0: i32, %arg1: i32, %arg2: memref<8192x256xf32, #tpu.memory_space<hbm>>, %arg3: memref<8192xi32, #tpu.memory_space<hbm>>, %arg4: memref<8192x256xf32, #tpu.memory_space<hbm>>, %arg5: memref<2x128xi32, #tpu.memory_space<vmem>>, %arg6: memref<2x128x256xf32, #tpu.memory_space<vmem>>, %arg7: memref<!tpu.dma_semaphore, #tpu.memory_space<semaphore_mem>>) attributes {dimension_semantics = [#tpu.dimension_semantics<core_parallel>, #tpu.dimension_semantics<subcore_parallel>], iteration_bounds = array<i64: 2, 16>, scalar_prefetch = 0 : i64, scratch_operands = 3 : i64, tpu.core_type = #tpu.core_type<sc_vector_subcore>, window_params = [{transform_indices = #map}, {transform_indices = #map1}, {transform_indices = #map}]} {
    %mul3A = arith.constant 2 : i32
    %mul3A_0 = arith.muli %arg1, %mul3A : i32
    %add3A = arith.addi %mul3A_0, %arg0 : i32
    %mul3A_1 = arith.constant 256 : i32
    %mul3A_2 = arith.muli %add3A, %mul3A_1 : i32
    %add3A_3 = arith.constant 0 : i32
    %add3A_4 = arith.addi %mul3A_2, %add3A_3 : i32
    %run_scoped3A = arith.constant 0 : i32
    "tpu.region"() ({
      %run_scoped3A_60 = tpu.sem_alloc : memref<!tpu.dma_semaphore, #tpu.memory_space<semaphore_mem>>
      %dma_start3A_61 = arith.constant 0 : i32
      %dma_start3A_62 = tpu.memref_slice %arg5[%run_scoped3A, %dma_start3A_61] : memref<2x128xi32, #tpu.memory_space<vmem>> -> memref<1x128xi32, #tpu.memory_space<vmem>>
      %dma_start3A_63 = tpu.memref_squeeze %dma_start3A_62 : memref<1x128xi32, #tpu.memory_space<vmem>> -> memref<128xi32, #tpu.memory_space<vmem>>
      %dma_start3A_64 = tpu.memref_slice %arg3[%add3A_4] : memref<8192xi32, #tpu.memory_space<hbm>> -> memref<128xi32, #tpu.memory_space<hbm>>
      %dma_start3A_65 = arith.constant 0 : i32
      %dma_start3A_66 = tpu.memref_slice %arg5[%run_scoped3A, %dma_start3A_65] : memref<2x128xi32, #tpu.memory_space<vmem>> -> memref<1x128xi32, #tpu.memory_space<vmem>>
      %dma_start3A_67 = tpu.memref_squeeze %dma_start3A_66 : memref<1x128xi32, #tpu.memory_space<vmem>> -> memref<128xi32, #tpu.memory_space<vmem>>
      %dma_start3A_68 = tpu.memref_slice %arg3[%add3A_4] : memref<8192xi32, #tpu.memory_space<hbm>> -> memref<128xi32, #tpu.memory_space<hbm>>
      tpu.enqueue_dma source(%dma_start3A_68 : memref<128xi32, #tpu.memory_space<hbm>>) target(%dma_start3A_67 : memref<128xi32, #tpu.memory_space<vmem>>) target_semaphore(%run_scoped3A_60 : memref<!tpu.dma_semaphore, #tpu.memory_space<semaphore_mem>>)
      %dma_wait3A_69 = arith.constant 0 : i32
      %dma_wait3A_70 = tpu.memref_slice %arg5[%run_scoped3A, %dma_wait3A_69] : memref<2x128xi32, #tpu.memory_space<vmem>> -> memref<1x128xi32, #tpu.memory_space<vmem>>
      %dma_wait3A_71 = tpu.memref_squeeze %dma_wait3A_70 : memref<1x128xi32, #tpu.memory_space<vmem>> -> memref<128xi32, #tpu.memory_space<vmem>>
      %dma_wait3A_72 = tpu.memref_slice %arg3[%add3A_4] : memref<8192xi32, #tpu.memory_space<hbm>> -> memref<128xi32, #tpu.memory_space<hbm>>
      %dma_wait3A_73 = arith.constant 0 : i32
      %dma_wait3A_74 = tpu.memref_slice %arg5[%run_scoped3A, %dma_wait3A_73] : memref<2x128xi32, #tpu.memory_space<vmem>> -> memref<1x128xi32, #tpu.memory_space<vmem>>
      %dma_wait3A_75 = tpu.memref_squeeze %dma_wait3A_74 : memref<1x128xi32, #tpu.memory_space<vmem>> -> memref<128xi32, #tpu.memory_space<vmem>>
      %dma_wait3A_76 = tpu.memref_slice %arg3[%add3A_4] : memref<8192xi32, #tpu.memory_space<hbm>> -> memref<128xi32, #tpu.memory_space<hbm>>
      tpu.wait_dma2 semaphore(%run_scoped3A_60 : memref<!tpu.dma_semaphore, #tpu.memory_space<semaphore_mem>>) src(%dma_wait3A_76 : memref<128xi32, #tpu.memory_space<hbm>>) dst(%dma_wait3A_75 : memref<128xi32, #tpu.memory_space<vmem>>)
      tpu.yield
    }) : () -> ()
    %add3A_5 = arith.constant 128 : i32
    %add3A_6 = arith.addi %mul3A_2, %add3A_5 : i32
    %run_scoped3A_7 = arith.constant 1 : i32
    "tpu.region"() ({
      %run_scoped3A_60 = tpu.sem_alloc : memref<!tpu.dma_semaphore, #tpu.memory_space<semaphore_mem>>
      %dma_start3A_61 = arith.constant 0 : i32
      %dma_start3A_62 = tpu.memref_slice %arg5[%run_scoped3A_7, %dma_start3A_61] : memref<2x128xi32, #tpu.memory_space<vmem>> -> memref<1x128xi32, #tpu.memory_space<vmem>>
      %dma_start3A_63 = tpu.memref_squeeze %dma_start3A_62 : memref<1x128xi32, #tpu.memory_space<vmem>> -> memref<128xi32, #tpu.memory_space<vmem>>
      %dma_start3A_64 = tpu.memref_slice %arg3[%add3A_6] : memref<8192xi32, #tpu.memory_space<hbm>> -> memref<128xi32, #tpu.memory_space<hbm>>
      %dma_start3A_65 = arith.constant 0 : i32
      %dma_start3A_66 = tpu.memref_slice %arg5[%run_scoped3A_7, %dma_start3A_65] : memref<2x128xi32, #tpu.memory_space<vmem>> -> memref<1x128xi32, #tpu.memory_space<vmem>>
      %dma_start3A_67 = tpu.memref_squeeze %dma_start3A_66 : memref<1x128xi32, #tpu.memory_space<vmem>> -> memref<128xi32, #tpu.memory_space<vmem>>
      %dma_start3A_68 = tpu.memref_slice %arg3[%add3A_6] : memref<8192xi32, #tpu.memory_space<hbm>> -> memref<128xi32, #tpu.memory_space<hbm>>
      tpu.enqueue_dma source(%dma_start3A_68 : memref<128xi32, #tpu.memory_space<hbm>>) target(%dma_start3A_67 : memref<128xi32, #tpu.memory_space<vmem>>) target_semaphore(%run_scoped3A_60 : memref<!tpu.dma_semaphore, #tpu.memory_space<semaphore_mem>>)
      %dma_wait3A_69 = arith.constant 0 : i32
      %dma_wait3A_70 = tpu.memref_slice %arg5[%run_scoped3A_7, %dma_wait3A_69] : memref<2x128xi32, #tpu.memory_space<vmem>> -> memref<1x128xi32, #tpu.memory_space<vmem>>
      %dma_wait3A_71 = tpu.memref_squeeze %dma_wait3A_70 : memref<1x128xi32, #tpu.memory_space<vmem>> -> memref<128xi32, #tpu.memory_space<vmem>>
      %dma_wait3A_72 = tpu.memref_slice %arg3[%add3A_6] : memref<8192xi32, #tpu.memory_space<hbm>> -> memref<128xi32, #tpu.memory_space<hbm>>
      %dma_wait3A_73 = arith.constant 0 : i32
      %dma_wait3A_74 = tpu.memref_slice %arg5[%run_scoped3A_7, %dma_wait3A_73] : memref<2x128xi32, #tpu.memory_space<vmem>> -> memref<1x128xi32, #tpu.memory_space<vmem>>
      %dma_wait3A_75 = tpu.memref_squeeze %dma_wait3A_74 : memref<1x128xi32, #tpu.memory_space<vmem>> -> memref<128xi32, #tpu.memory_space<vmem>>
      %dma_wait3A_76 = tpu.memref_slice %arg3[%add3A_6] : memref<8192xi32, #tpu.memory_space<hbm>> -> memref<128xi32, #tpu.memory_space<hbm>>
      tpu.wait_dma2 semaphore(%run_scoped3A_60 : memref<!tpu.dma_semaphore, #tpu.memory_space<semaphore_mem>>) src(%dma_wait3A_76 : memref<128xi32, #tpu.memory_space<hbm>>) dst(%dma_wait3A_75 : memref<128xi32, #tpu.memory_space<vmem>>)
      tpu.yield
    }) : () -> ()
    %dma_start3A = arith.constant 0 : i32
    %dma_start3A_8 = arith.constant 0 : i32
    %dma_start3A_9 = arith.constant 0 : i32
    %dma_start3A_10 = arith.constant 0 : i32
    %dma_start3A_11 = tpu.memref_slice %arg6[%dma_start3A_8, %dma_start3A_9, %dma_start3A_10] : memref<2x128x256xf32, #tpu.memory_space<vmem>> -> memref<1x128x256xf32, #tpu.memory_space<vmem>>
    %dma_start3A_12 = tpu.memref_squeeze %dma_start3A_11 : memref<1x128x256xf32, #tpu.memory_space<vmem>> -> memref<128x256xf32, #tpu.memory_space<vmem>>
    %dma_start3A_13 = arith.constant 0 : i32
    %dma_start3A_14 = tpu.memref_slice %arg5[%dma_start3A, %dma_start3A_13] : memref<2x128xi32, #tpu.memory_space<vmem>> -> memref<1x128xi32, #tpu.memory_space<vmem>>
    %dma_start3A_15 = tpu.memref_squeeze %dma_start3A_14 : memref<1x128xi32, #tpu.memory_space<vmem>> -> memref<128xi32, #tpu.memory_space<vmem>>
    %dma_start3A_16 = arith.constant 0 : i32
    %dma_start3A_17 = arith.constant 0 : i32
    %dma_start3A_18 = tpu.memref_slice %arg2[%dma_start3A_16, %dma_start3A_17] : memref<8192x256xf32, #tpu.memory_space<hbm>> -> memref<8192x256xf32, #tpu.memory_space<hbm>>
    tpu.enqueue_indirect_dma source(%dma_start3A_18 : memref<8192x256xf32, #tpu.memory_space<hbm>>) target(%dma_start3A_12 : memref<128x256xf32, #tpu.memory_space<vmem>>) offsets(%dma_start3A_15 : memref<128xi32, #tpu.memory_space<vmem>>) semaphore(%arg7 : memref<!tpu.dma_semaphore, #tpu.memory_space<semaphore_mem>>)
    %dma_start3A_19 = arith.constant 1 : i32
    %dma_start3A_20 = arith.constant 1 : i32
    %dma_start3A_21 = arith.constant 0 : i32
    %dma_start3A_22 = arith.constant 0 : i32
    %dma_start3A_23 = tpu.memref_slice %arg6[%dma_start3A_20, %dma_start3A_21, %dma_start3A_22] : memref<2x128x256xf32, #tpu.memory_space<vmem>> -> memref<1x128x256xf32, #tpu.memory_space<vmem>>
    %dma_start3A_24 = tpu.memref_squeeze %dma_start3A_23 : memref<1x128x256xf32, #tpu.memory_space<vmem>> -> memref<128x256xf32, #tpu.memory_space<vmem>>
    %dma_start3A_25 = arith.constant 0 : i32
    %dma_start3A_26 = tpu.memref_slice %arg5[%dma_start3A_19, %dma_start3A_25] : memref<2x128xi32, #tpu.memory_space<vmem>> -> memref<1x128xi32, #tpu.memory_space<vmem>>
    %dma_start3A_27 = tpu.memref_squeeze %dma_start3A_26 : memref<1x128xi32, #tpu.memory_space<vmem>> -> memref<128xi32, #tpu.memory_space<vmem>>
    %dma_start3A_28 = arith.constant 0 : i32
    %dma_start3A_29 = arith.constant 0 : i32
    %dma_start3A_30 = tpu.memref_slice %arg2[%dma_start3A_28, %dma_start3A_29] : memref<8192x256xf32, #tpu.memory_space<hbm>> -> memref<8192x256xf32, #tpu.memory_space<hbm>>
    tpu.enqueue_indirect_dma source(%dma_start3A_30 : memref<8192x256xf32, #tpu.memory_space<hbm>>) target(%dma_start3A_24 : memref<128x256xf32, #tpu.memory_space<vmem>>) offsets(%dma_start3A_27 : memref<128xi32, #tpu.memory_space<vmem>>) semaphore(%arg7 : memref<!tpu.dma_semaphore, #tpu.memory_space<semaphore_mem>>)
    %dma_wait3A = arith.constant 0 : i32
    %dma_wait3A_31 = arith.constant 0 : i32
    %dma_wait3A_32 = arith.constant 0 : i32
    %dma_wait3A_33 = arith.constant 0 : i32
    %dma_wait3A_34 = tpu.memref_slice %arg6[%dma_wait3A_31, %dma_wait3A_32, %dma_wait3A_33] : memref<2x128x256xf32, #tpu.memory_space<vmem>> -> memref<1x128x256xf32, #tpu.memory_space<vmem>>
    %dma_wait3A_35 = tpu.memref_squeeze %dma_wait3A_34 : memref<1x128x256xf32, #tpu.memory_space<vmem>> -> memref<128x256xf32, #tpu.memory_space<vmem>>
    %dma_wait3A_36 = arith.constant 0 : i32
    %dma_wait3A_37 = tpu.memref_slice %arg5[%dma_wait3A, %dma_wait3A_36] : memref<2x128xi32, #tpu.memory_space<vmem>> -> memref<1x128xi32, #tpu.memory_space<vmem>>
    %dma_wait3A_38 = tpu.memref_squeeze %dma_wait3A_37 : memref<1x128xi32, #tpu.memory_space<vmem>> -> memref<128xi32, #tpu.memory_space<vmem>>
    %dma_wait3A_39 = arith.constant 0 : i32
    %dma_wait3A_40 = arith.constant 0 : i32
    %dma_wait3A_41 = tpu.memref_slice %arg2[%dma_wait3A_39, %dma_wait3A_40] : memref<8192x256xf32, #tpu.memory_space<hbm>> -> memref<8192x256xf32, #tpu.memory_space<hbm>>
    tpu.wait_indirect_dma semaphore(%arg7 : memref<!tpu.dma_semaphore, #tpu.memory_space<semaphore_mem>>) src(%dma_wait3A_41 : memref<8192x256xf32, #tpu.memory_space<hbm>>) dst(%dma_wait3A_35 : memref<128x256xf32, #tpu.memory_space<vmem>>)
    %add3A_42 = arith.constant 0 : i32
    %add3A_43 = arith.addi %mul3A_2, %add3A_42 : i32
    %run_scoped3A_44 = arith.constant 0 : i32
    "tpu.region"() ({
      %run_scoped3A_60 = tpu.sem_alloc : memref<!tpu.dma_semaphore, #tpu.memory_space<semaphore_mem>>
      %dma_start3A_61 = arith.constant 0 : i32
      %dma_start3A_62 = arith.constant 0 : i32
      %dma_start3A_63 = tpu.memref_slice %arg6[%run_scoped3A_44, %dma_start3A_61, %dma_start3A_62] : memref<2x128x256xf32, #tpu.memory_space<vmem>> -> memref<1x128x256xf32, #tpu.memory_space<vmem>>
      %dma_start3A_64 = tpu.memref_squeeze %dma_start3A_63 : memref<1x128x256xf32, #tpu.memory_space<vmem>> -> memref<128x256xf32, #tpu.memory_space<vmem>>
      %dma_start3A_65 = arith.constant 0 : i32
      %dma_start3A_66 = tpu.memref_slice %arg4[%add3A_43, %dma_start3A_65] : memref<8192x256xf32, #tpu.memory_space<hbm>> -> memref<128x256xf32, #tpu.memory_space<hbm>>
      %dma_start3A_67 = arith.constant 0 : i32
      %dma_start3A_68 = tpu.memref_slice %arg4[%add3A_43, %dma_start3A_67] : memref<8192x256xf32, #tpu.memory_space<hbm>> -> memref<128x256xf32, #tpu.memory_space<hbm>>
      %dma_start3A_69 = arith.constant 0 : i32
      %dma_start3A_70 = arith.constant 0 : i32
      %dma_start3A_71 = tpu.memref_slice %arg6[%run_scoped3A_44, %dma_start3A_69, %dma_start3A_70] : memref<2x128x256xf32, #tpu.memory_space<vmem>> -> memref<1x128x256xf32, #tpu.memory_space<vmem>>
      %dma_start3A_72 = tpu.memref_squeeze %dma_start3A_71 : memref<1x128x256xf32, #tpu.memory_space<vmem>> -> memref<128x256xf32, #tpu.memory_space<vmem>>
      tpu.enqueue_dma source(%dma_start3A_72 : memref<128x256xf32, #tpu.memory_space<vmem>>) target(%dma_start3A_68 : memref<128x256xf32, #tpu.memory_space<hbm>>) target_semaphore(%run_scoped3A_60 : memref<!tpu.dma_semaphore, #tpu.memory_space<semaphore_mem>>)
      %dma_wait3A_73 = arith.constant 0 : i32
      %dma_wait3A_74 = arith.constant 0 : i32
      %dma_wait3A_75 = tpu.memref_slice %arg6[%run_scoped3A_44, %dma_wait3A_73, %dma_wait3A_74] : memref<2x128x256xf32, #tpu.memory_space<vmem>> -> memref<1x128x256xf32, #tpu.memory_space<vmem>>
      %dma_wait3A_76 = tpu.memref_squeeze %dma_wait3A_75 : memref<1x128x256xf32, #tpu.memory_space<vmem>> -> memref<128x256xf32, #tpu.memory_space<vmem>>
      %dma_wait3A_77 = arith.constant 0 : i32
      %dma_wait3A_78 = tpu.memref_slice %arg4[%add3A_43, %dma_wait3A_77] : memref<8192x256xf32, #tpu.memory_space<hbm>> -> memref<128x256xf32, #tpu.memory_space<hbm>>
      %dma_wait3A_79 = arith.constant 0 : i32
      %dma_wait3A_80 = tpu.memref_slice %arg4[%add3A_43, %dma_wait3A_79] : memref<8192x256xf32, #tpu.memory_space<hbm>> -> memref<128x256xf32, #tpu.memory_space<hbm>>
      %dma_wait3A_81 = arith.constant 0 : i32
      %dma_wait3A_82 = arith.constant 0 : i32
      %dma_wait3A_83 = tpu.memref_slice %arg6[%run_scoped3A_44, %dma_wait3A_81, %dma_wait3A_82] : memref<2x128x256xf32, #tpu.memory_space<vmem>> -> memref<1x128x256xf32, #tpu.memory_space<vmem>>
      %dma_wait3A_84 = tpu.memref_squeeze %dma_wait3A_83 : memref<1x128x256xf32, #tpu.memory_space<vmem>> -> memref<128x256xf32, #tpu.memory_space<vmem>>
      tpu.wait_dma2 semaphore(%run_scoped3A_60 : memref<!tpu.dma_semaphore, #tpu.memory_space<semaphore_mem>>) src(%dma_wait3A_84 : memref<128x256xf32, #tpu.memory_space<vmem>>) dst(%dma_wait3A_80 : memref<128x256xf32, #tpu.memory_space<hbm>>)
      tpu.yield
    }) : () -> ()
    %dma_wait3A_45 = arith.constant 1 : i32
    %dma_wait3A_46 = arith.constant 1 : i32
    %dma_wait3A_47 = arith.constant 0 : i32
    %dma_wait3A_48 = arith.constant 0 : i32
    %dma_wait3A_49 = tpu.memref_slice %arg6[%dma_wait3A_46, %dma_wait3A_47, %dma_wait3A_48] : memref<2x128x256xf32, #tpu.memory_space<vmem>> -> memref<1x128x256xf32, #tpu.memory_space<vmem>>
    %dma_wait3A_50 = tpu.memref_squeeze %dma_wait3A_49 : memref<1x128x256xf32, #tpu.memory_space<vmem>> -> memref<128x256xf32, #tpu.memory_space<vmem>>
    %dma_wait3A_51 = arith.constant 0 : i32
    %dma_wait3A_52 = tpu.memref_slice %arg5[%dma_wait3A_45, %dma_wait3A_51] : memref<2x128xi32, #tpu.memory_space<vmem>> -> memref<1x128xi32, #tpu.memory_space<vmem>>
    %dma_wait3A_53 = tpu.memref_squeeze %dma_wait3A_52 : memref<1x128xi32, #tpu.memory_space<vmem>> -> memref<128xi32, #tpu.memory_space<vmem>>
    %dma_wait3A_54 = arith.constant 0 : i32
    %dma_wait3A_55 = arith.constant 0 : i32
    %dma_wait3A_56 = tpu.memref_slice %arg2[%dma_wait3A_54, %dma_wait3A_55] : memref<8192x256xf32, #tpu.memory_space<hbm>> -> memref<8192x256xf32, #tpu.memory_space<hbm>>
    tpu.wait_indirect_dma semaphore(%arg7 : memref<!tpu.dma_semaphore, #tpu.memory_space<semaphore_mem>>) src(%dma_wait3A_56 : memref<8192x256xf32, #tpu.memory_space<hbm>>) dst(%dma_wait3A_50 : memref<128x256xf32, #tpu.memory_space<vmem>>)
    %add3A_57 = arith.constant 128 : i32
    %add3A_58 = arith.addi %mul3A_2, %add3A_57 : i32
    %run_scoped3A_59 = arith.constant 1 : i32
    "tpu.region"() ({
      %run_scoped3A_60 = tpu.sem_alloc : memref<!tpu.dma_semaphore, #tpu.memory_space<semaphore_mem>>
      %dma_start3A_61 = arith.constant 0 : i32
      %dma_start3A_62 = arith.constant 0 : i32
      %dma_start3A_63 = tpu.memref_slice %arg6[%run_scoped3A_59, %dma_start3A_61, %dma_start3A_62] : memref<2x128x256xf32, #tpu.memory_space<vmem>> -> memref<1x128x256xf32, #tpu.memory_space<vmem>>
      %dma_start3A_64 = tpu.memref_squeeze %dma_start3A_63 : memref<1x128x256xf32, #tpu.memory_space<vmem>> -> memref<128x256xf32, #tpu.memory_space<vmem>>
      %dma_start3A_65 = arith.constant 0 : i32
      %dma_start3A_66 = tpu.memref_slice %arg4[%add3A_58, %dma_start3A_65] : memref<8192x256xf32, #tpu.memory_space<hbm>> -> memref<128x256xf32, #tpu.memory_space<hbm>>
      %dma_start3A_67 = arith.constant 0 : i32
      %dma_start3A_68 = tpu.memref_slice %arg4[%add3A_58, %dma_start3A_67] : memref<8192x256xf32, #tpu.memory_space<hbm>> -> memref<128x256xf32, #tpu.memory_space<hbm>>
      %dma_start3A_69 = arith.constant 0 : i32
      %dma_start3A_70 = arith.constant 0 : i32
      %dma_start3A_71 = tpu.memref_slice %arg6[%run_scoped3A_59, %dma_start3A_69, %dma_start3A_70] : memref<2x128x256xf32, #tpu.memory_space<vmem>> -> memref<1x128x256xf32, #tpu.memory_space<vmem>>
      %dma_start3A_72 = tpu.memref_squeeze %dma_start3A_71 : memref<1x128x256xf32, #tpu.memory_space<vmem>> -> memref<128x256xf32, #tpu.memory_space<vmem>>
      tpu.enqueue_dma source(%dma_start3A_72 : memref<128x256xf32, #tpu.memory_space<vmem>>) target(%dma_start3A_68 : memref<128x256xf32, #tpu.memory_space<hbm>>) target_semaphore(%run_scoped3A_60 : memref<!tpu.dma_semaphore, #tpu.memory_space<semaphore_mem>>)
      %dma_wait3A_73 = arith.constant 0 : i32
      %dma_wait3A_74 = arith.constant 0 : i32
      %dma_wait3A_75 = tpu.memref_slice %arg6[%run_scoped3A_59, %dma_wait3A_73, %dma_wait3A_74] : memref<2x128x256xf32, #tpu.memory_space<vmem>> -> memref<1x128x256xf32, #tpu.memory_space<vmem>>
      %dma_wait3A_76 = tpu.memref_squeeze %dma_wait3A_75 : memref<1x128x256xf32, #tpu.memory_space<vmem>> -> memref<128x256xf32, #tpu.memory_space<vmem>>
      %dma_wait3A_77 = arith.constant 0 : i32
      %dma_wait3A_78 = tpu.memref_slice %arg4[%add3A_58, %dma_wait3A_77] : memref<8192x256xf32, #tpu.memory_space<hbm>> -> memref<128x256xf32, #tpu.memory_space<hbm>>
      %dma_wait3A_79 = arith.constant 0 : i32
      %dma_wait3A_80 = tpu.memref_slice %arg4[%add3A_58, %dma_wait3A_79] : memref<8192x256xf32, #tpu.memory_space<hbm>> -> memref<128x256xf32, #tpu.memory_space<hbm>>
      %dma_wait3A_81 = arith.constant 0 : i32
      %dma_wait3A_82 = arith.constant 0 : i32
      %dma_wait3A_83 = tpu.memref_slice %arg6[%run_scoped3A_59, %dma_wait3A_81, %dma_wait3A_82] : memref<2x128x256xf32, #tpu.memory_space<vmem>> -> memref<1x128x256xf32, #tpu.memory_space<vmem>>
      %dma_wait3A_84 = tpu.memref_squeeze %dma_wait3A_83 : memref<1x128x256xf32, #tpu.memory_space<vmem>> -> memref<128x256xf32, #tpu.memory_space<vmem>>
      tpu.wait_dma2 semaphore(%run_scoped3A_60 : memref<!tpu.dma_semaphore, #tpu.memory_space<semaphore_mem>>) src(%dma_wait3A_84 : memref<128x256xf32, #tpu.memory_space<vmem>>) dst(%dma_wait3A_80 : memref<128x256xf32, #tpu.memory_space<hbm>>)
      tpu.yield
    }) : () -> ()
    return
  }
}

module attributes {stable_mosaic.version = 14 : i64} {
  func.func @_st_body(%arg0: i32, %arg1: memref<2048x256xf32, #tpu.memory_space<vmem>>, %arg2: memref<2048x256xf32, #tpu.memory_space<vmem>>, %arg3: memref<2048x256xf32, #tpu.memory_space<vmem>>) attributes {dimension_semantics = [#tpu.dimension_semantics<arbitrary>], iteration_bounds = array<i64: 4>, scalar_prefetch = 0 : i64, scratch_operands = 0 : i64, tpu.core_type = #tpu.core_type<tc>, window_params = [{transform_indices = @transform_0, window_bounds = array<i64: 2048, 256>}, {transform_indices = @transform_1, window_bounds = array<i64: 2048, 256>}, {transform_indices = @transform_2, window_bounds = array<i64: 2048, 256>}]} {
    %get3A = arith.constant 0 : index
    %get3A_0 = arith.constant 0 : index
    %get3A_1 = vector.load %arg1[%get3A, %get3A_0] : memref<2048x256xf32, #tpu.memory_space<vmem>>, vector<2048x256xf32>
    %get3A_2 = arith.constant 0 : index
    %get3A_3 = arith.constant 0 : index
    %get3A_4 = vector.load %arg2[%get3A_2, %get3A_3] : memref<2048x256xf32, #tpu.memory_space<vmem>>, vector<2048x256xf32>
    %sub3A = arith.subf %get3A_4, %get3A_1 : vector<2048x256xf32>
    %add3A = arith.addf %get3A_1, %sub3A : vector<2048x256xf32>
    %swap3A = arith.constant 0 : index
    %swap3A_5 = arith.constant 0 : index
    %swap3A_6 = vector.load %arg3[%swap3A, %swap3A_5] : memref<2048x256xf32, #tpu.memory_space<vmem>>, vector<2048x256xf32>
    tpu.vector_store %arg3[%swap3A, %swap3A_5], %add3A {strides = array<i32>} : memref<2048x256xf32, #tpu.memory_space<vmem>>, vector<2048x256xf32>,
    return
  }
  func.func @transform_0(%arg0: i32) -> (i32, i32) {
    %c0_i32 = arith.constant 0 : i32
    %c0_i32_0 = arith.constant 0 : i32
    return %arg0, %c0_i32 : i32, i32
  }
  func.func @transform_1(%arg0: i32) -> (i32, i32) {
    %c0_i32 = arith.constant 0 : i32
    %c0_i32_0 = arith.constant 0 : i32
    return %arg0, %c0_i32 : i32, i32
  }
  func.func @transform_2(%arg0: i32) -> (i32, i32) {
    %c0_i32 = arith.constant 0 : i32
    %c0_i32_0 = arith.constant 0 : i32
    return %arg0, %c0_i32 : i32, i32
  }
}

module attributes {stable_mosaic.version = 14 : i64} {
  func.func @_bsq_body(%arg0: memref<8192x256xf32, #tpu.memory_space<vmem>>, %arg1: memref<1x8192xf32, #tpu.memory_space<vmem>>) attributes {dimension_semantics = [], scalar_prefetch = 0 : i64, scratch_operands = 0 : i64, tpu.core_type = #tpu.core_type<tc>} {
    %get3A = arith.constant 0 : index
    %get3A_0 = arith.constant 0 : index
    %get3A_1 = vector.load %arg0[%get3A, %get3A_0] : memref<8192x256xf32, #tpu.memory_space<vmem>>, vector<8192x256xf32>
    %mul3A = arith.mulf %get3A_1, %get3A_1 : vector<8192x256xf32>
    %slice3A = vector.extract_strided_slice %mul3A {offsets = [0, 0], sizes = [8192, 128], strides = [1, 1]} : vector<8192x256xf32> to vector<8192x128xf32>
    %slice3A_2 = vector.extract_strided_slice %mul3A {offsets = [0, 128], sizes = [8192, 128], strides = [1, 1]} : vector<8192x256xf32> to vector<8192x128xf32>
    %add3A = arith.addf %slice3A, %slice3A_2 : vector<8192x128xf32>
    %transpose3A = tpu.transpose %add3A, [1, 0] : vector<8192x128xf32> -> vector<128x8192xf32>
    %reduce_sum3A = arith.constant dense<0.000000e+00> : vector<8192xf32>
    %reduce_sum3A_3 = vector.multi_reduction <add>, %transpose3A, %reduce_sum3A [0] : vector<128x8192xf32> to vector<8192xf32>
    %broadcast_in_dim3A = vector.shape_cast %reduce_sum3A_3 : vector<8192xf32> to vector<1x8192xf32>
    %swap3A = arith.constant 0 : index
    %swap3A_4 = arith.constant 0 : index
    %swap3A_5 = vector.load %arg1[%swap3A, %swap3A_4] : memref<1x8192xf32, #tpu.memory_space<vmem>>, vector<1x8192xf32>
    tpu.vector_store %arg1[%swap3A, %swap3A_4], %broadcast_in_dim3A {strides = array<i32>} : memref<1x8192xf32, #tpu.memory_space<vmem>>, vector<1x8192xf32>,
    return
  }
}

module attributes {stable_mosaic.version = 14 : i64} {
  func.func @_argmin_body(%arg0: i32, %arg1: memref<2048x256xf32, #tpu.memory_space<vmem>>, %arg2: memref<8192x256xf32, #tpu.memory_space<vmem>>, %arg3: memref<1x8192xf32, #tpu.memory_space<vmem>>, %arg4: memref<1x16x128xi32, #tpu.memory_space<vmem>>, %arg5: memref<1x1xf32, #tpu.memory_space<smem>>) attributes {dimension_semantics = [#tpu.dimension_semantics<arbitrary>], iteration_bounds = array<i64: 4>, scalar_prefetch = 0 : i64, scratch_operands = 0 : i64, tpu.core_type = #tpu.core_type<tc>, window_params = [{transform_indices = @transform_0, window_bounds = array<i64: 2048, 256>}, {pipeline_mode = #tpu.pipeline_mode<synchronous>, transform_indices = @transform_1, window_bounds = array<i64: 8192, 256>}, {pipeline_mode = #tpu.pipeline_mode<synchronous>, transform_indices = @transform_2, window_bounds = array<i64: 1, 8192>}, {transform_indices = @transform_3, window_bounds = array<i64: 1, 16, 128>}, {transform_indices = @transform_4, window_bounds = array<i64: 1, 1>}]} {
    %get3A = arith.constant 0 : index
    %get3A_0 = arith.constant 0 : index
    %get3A_1 = vector.load %arg1[%get3A, %get3A_0] : memref<2048x256xf32, #tpu.memory_space<vmem>>, vector<2048x256xf32>
    %mul3A = arith.mulf %get3A_1, %get3A_1 : vector<2048x256xf32>
    %reduce_sum3A = arith.constant dense<0.000000e+00> : vector<2048xf32>
    %reduce_sum3A_2 = vector.multi_reduction <add>, %mul3A, %reduce_sum3A [1] : vector<2048x256xf32> to vector<2048xf32>
    %broadcast_in_dim3A = vector.shape_cast %reduce_sum3A_2 : vector<2048xf32> to vector<2048x1xf32>
    %broadcast_in_dim3A_3 = vector.shape_cast %broadcast_in_dim3A : vector<2048x1xf32> to vector<2048x1xf32>
    %broadcast_in_dim3A_4 = vector.broadcast %broadcast_in_dim3A_3 : vector<2048x1xf32> to vector<2048x128xf32>
    %add3A = arith.addf %get3A_1, %get3A_1 : vector<2048x256xf32>
    %convert_element_type3A = arith.truncf %add3A : vector<2048x256xf32> to vector<2048x256xbf16>
    %broadcast_in_dim3A_5 = arith.constant 0x7F800000 : f32
    %broadcast_in_dim3A_6 = vector.broadcast %broadcast_in_dim3A_5 : f32 to vector<2048x128xf32>
    %broadcast_in_dim3A_7 = arith.constant 0 : i32
    %broadcast_in_dim3A_8 = vector.broadcast %broadcast_in_dim3A_7 : i32 to vector<2048x128xi32>
    %get3A_9 = arith.constant 0 : index
    %get3A_10 = arith.constant 0 : index
    %get3A_11 = vector.load %arg2[%get3A_9, %get3A_10] : memref<8192x256xf32, #tpu.memory_space<vmem>>, vector<2048x256xf32>
    %convert_element_type3A_12 = arith.truncf %get3A_11 : vector<2048x256xf32> to vector<2048x256xbf16>
    %dot_general3A = arith.constant dense<0.000000e+00> : vector<2048x2048xf32>
    %dot_general3A_13 = tpu.matmul %convert_element_type3A, %convert_element_type3A_12, %dot_general3A {dimension_numbers = #tpu.dot_dimension_numbers<[1], [1], [0], [0], [0, 0, 1, 0], [], []>, transpose_lhs_hint = false} : vector<2048x256xbf16>, vector<2048x256xbf16>, vector<2048x2048xf32> -> vector<2048x2048xf32>
    %get3A_14 = arith.constant 0 : index
    %get3A_15 = arith.constant 0 : index
    %get3A_16 = vector.load %arg3[%get3A_14, %get3A_15] : memref<1x8192xf32, #tpu.memory_space<vmem>>, vector<1x2048xf32>
    %slice3A = vector.extract_strided_slice %dot_general3A_13 {offsets = [0, 0], sizes = [2048, 128], strides = [1, 1]} : vector<2048x2048xf32> to vector<2048x128xf32>
    %slice3A_17 = vector.extract_strided_slice %get3A_16 {offsets = [0, 0], sizes = [1, 128], strides = [1, 1]} : vector<1x2048xf32> to vector<1x128xf32>
    %add3A_18 = vector.broadcast %slice3A_17 : vector<1x128xf32> to vector<2048x128xf32>
    %add3A_19 = arith.addf %broadcast_in_dim3A_4, %add3A_18 : vector<2048x128xf32>
    %sub3A = arith.subf %add3A_19, %slice3A : vector<2048x128xf32>
    %lt3A = arith.cmpf olt, %sub3A, %broadcast_in_dim3A_6 : vector<2048x128xf32>
    %jit3A = arith.constant 0 : i32
    %broadcast_in_dim3A_20 = vector.broadcast %jit3A : i32 to vector<2048x128xi32>
    %select_n3A = arith.select %lt3A, %broadcast_in_dim3A_20, %broadcast_in_dim3A_8 : vector<2048x128xi1>, vector<2048x128xi32>
    %min3A = arith.minimumf %broadcast_in_dim3A_6, %sub3A : vector<2048x128xf32>
    %slice3A_21 = vector.extract_strided_slice %dot_general3A_13 {offsets = [0, 128], sizes = [2048, 128], strides = [1, 1]} : vector<2048x2048xf32> to vector<2048x128xf32>
    %slice3A_22 = vector.extract_strided_slice %get3A_16 {offsets = [0, 128], sizes = [1, 128], strides = [1, 1]} : vector<1x2048xf32> to vector<1x128xf32>
    %add3A_23 = vector.broadcast %slice3A_22 : vector<1x128xf32> to vector<2048x128xf32>
    %add3A_24 = arith.addf %broadcast_in_dim3A_4, %add3A_23 : vector<2048x128xf32>
    %sub3A_25 = arith.subf %add3A_24, %slice3A_21 : vector<2048x128xf32>
    %lt3A_26 = arith.cmpf olt, %sub3A_25, %min3A : vector<2048x128xf32>
    %jit3A_27 = arith.constant 1 : i32
    %broadcast_in_dim3A_28 = vector.broadcast %jit3A_27 : i32 to vector<2048x128xi32>
    %select_n3A_29 = arith.select %lt3A_26, %broadcast_in_dim3A_28, %select_n3A : vector<2048x128xi1>, vector<2048x128xi32>
    %min3A_30 = arith.minimumf %min3A, %sub3A_25 : vector<2048x128xf32>
    %slice3A_31 = vector.extract_strided_slice %dot_general3A_13 {offsets = [0, 256], sizes = [2048, 128], strides = [1, 1]} : vector<2048x2048xf32> to vector<2048x128xf32>
    %slice3A_32 = vector.extract_strided_slice %get3A_16 {offsets = [0, 256], sizes = [1, 128], strides = [1, 1]} : vector<1x2048xf32> to vector<1x128xf32>
    %add3A_33 = vector.broadcast %slice3A_32 : vector<1x128xf32> to vector<2048x128xf32>
    %add3A_34 = arith.addf %broadcast_in_dim3A_4, %add3A_33 : vector<2048x128xf32>
    %sub3A_35 = arith.subf %add3A_34, %slice3A_31 : vector<2048x128xf32>
    %lt3A_36 = arith.cmpf olt, %sub3A_35, %min3A_30 : vector<2048x128xf32>
    %jit3A_37 = arith.constant 2 : i32
    %broadcast_in_dim3A_38 = vector.broadcast %jit3A_37 : i32 to vector<2048x128xi32>
    %select_n3A_39 = arith.select %lt3A_36, %broadcast_in_dim3A_38, %select_n3A_29 : vector<2048x128xi1>, vector<2048x128xi32>
    %min3A_40 = arith.minimumf %min3A_30, %sub3A_35 : vector<2048x128xf32>
    %slice3A_41 = vector.extract_strided_slice %dot_general3A_13 {offsets = [0, 384], sizes = [2048, 128], strides = [1, 1]} : vector<2048x2048xf32> to vector<2048x128xf32>
    %slice3A_42 = vector.extract_strided_slice %get3A_16 {offsets = [0, 384], sizes = [1, 128], strides = [1, 1]} : vector<1x2048xf32> to vector<1x128xf32>
    %add3A_43 = vector.broadcast %slice3A_42 : vector<1x128xf32> to vector<2048x128xf32>
    %add3A_44 = arith.addf %broadcast_in_dim3A_4, %add3A_43 : vector<2048x128xf32>
    %sub3A_45 = arith.subf %add3A_44, %slice3A_41 : vector<2048x128xf32>
    %lt3A_46 = arith.cmpf olt, %sub3A_45, %min3A_40 : vector<2048x128xf32>
    %jit3A_47 = arith.constant 3 : i32
    %broadcast_in_dim3A_48 = vector.broadcast %jit3A_47 : i32 to vector<2048x128xi32>
    %select_n3A_49 = arith.select %lt3A_46, %broadcast_in_dim3A_48, %select_n3A_39 : vector<2048x128xi1>, vector<2048x128xi32>
    %min3A_50 = arith.minimumf %min3A_40, %sub3A_45 : vector<2048x128xf32>
    %slice3A_51 = vector.extract_strided_slice %dot_general3A_13 {offsets = [0, 512], sizes = [2048, 128], strides = [1, 1]} : vector<2048x2048xf32> to vector<2048x128xf32>
    %slice3A_52 = vector.extract_strided_slice %get3A_16 {offsets = [0, 512], sizes = [1, 128], strides = [1, 1]} : vector<1x2048xf32> to vector<1x128xf32>
    %add3A_53 = vector.broadcast %slice3A_52 : vector<1x128xf32> to vector<2048x128xf32>
    %add3A_54 = arith.addf %broadcast_in_dim3A_4, %add3A_53 : vector<2048x128xf32>
    %sub3A_55 = arith.subf %add3A_54, %slice3A_51 : vector<2048x128xf32>
    %lt3A_56 = arith.cmpf olt, %sub3A_55, %min3A_50 : vector<2048x128xf32>
    %jit3A_57 = arith.constant 4 : i32
    %broadcast_in_dim3A_58 = vector.broadcast %jit3A_57 : i32 to vector<2048x128xi32>
    %select_n3A_59 = arith.select %lt3A_56, %broadcast_in_dim3A_58, %select_n3A_49 : vector<2048x128xi1>, vector<2048x128xi32>
    %min3A_60 = arith.minimumf %min3A_50, %sub3A_55 : vector<2048x128xf32>
    %slice3A_61 = vector.extract_strided_slice %dot_general3A_13 {offsets = [0, 640], sizes = [2048, 128], strides = [1, 1]} : vector<2048x2048xf32> to vector<2048x128xf32>
    %slice3A_62 = vector.extract_strided_slice %get3A_16 {offsets = [0, 640], sizes = [1, 128], strides = [1, 1]} : vector<1x2048xf32> to vector<1x128xf32>
    %add3A_63 = vector.broadcast %slice3A_62 : vector<1x128xf32> to vector<2048x128xf32>
    %add3A_64 = arith.addf %broadcast_in_dim3A_4, %add3A_63 : vector<2048x128xf32>
    %sub3A_65 = arith.subf %add3A_64, %slice3A_61 : vector<2048x128xf32>
    %lt3A_66 = arith.cmpf olt, %sub3A_65, %min3A_60 : vector<2048x128xf32>
    %jit3A_67 = arith.constant 5 : i32
    %broadcast_in_dim3A_68 = vector.broadcast %jit3A_67 : i32 to vector<2048x128xi32>
    %select_n3A_69 = arith.select %lt3A_66, %broadcast_in_dim3A_68, %select_n3A_59 : vector<2048x128xi1>, vector<2048x128xi32>
    %min3A_70 = arith.minimumf %min3A_60, %sub3A_65 : vector<2048x128xf32>
    %slice3A_71 = vector.extract_strided_slice %dot_general3A_13 {offsets = [0, 768], sizes = [2048, 128], strides = [1, 1]} : vector<2048x2048xf32> to vector<2048x128xf32>
    %slice3A_72 = vector.extract_strided_slice %get3A_16 {offsets = [0, 768], sizes = [1, 128], strides = [1, 1]} : vector<1x2048xf32> to vector<1x128xf32>
    %add3A_73 = vector.broadcast %slice3A_72 : vector<1x128xf32> to vector<2048x128xf32>
    %add3A_74 = arith.addf %broadcast_in_dim3A_4, %add3A_73 : vector<2048x128xf32>
    %sub3A_75 = arith.subf %add3A_74, %slice3A_71 : vector<2048x128xf32>
    %lt3A_76 = arith.cmpf olt, %sub3A_75, %min3A_70 : vector<2048x128xf32>
    %jit3A_77 = arith.constant 6 : i32
    %broadcast_in_dim3A_78 = vector.broadcast %jit3A_77 : i32 to vector<2048x128xi32>
    %select_n3A_79 = arith.select %lt3A_76, %broadcast_in_dim3A_78, %select_n3A_69 : vector<2048x128xi1>, vector<2048x128xi32>
    %min3A_80 = arith.minimumf %min3A_70, %sub3A_75 : vector<2048x128xf32>
    %slice3A_81 = vector.extract_strided_slice %dot_general3A_13 {offsets = [0, 896], sizes = [2048, 128], strides = [1, 1]} : vector<2048x2048xf32> to vector<2048x128xf32>
    %slice3A_82 = vector.extract_strided_slice %get3A_16 {offsets = [0, 896], sizes = [1, 128], strides = [1, 1]} : vector<1x2048xf32> to vector<1x128xf32>
    %add3A_83 = vector.broadcast %slice3A_82 : vector<1x128xf32> to vector<2048x128xf32>
    %add3A_84 = arith.addf %broadcast_in_dim3A_4, %add3A_83 : vector<2048x128xf32>
    %sub3A_85 = arith.subf %add3A_84, %slice3A_81 : vector<2048x128xf32>
    %lt3A_86 = arith.cmpf olt, %sub3A_85, %min3A_80 : vector<2048x128xf32>
    %jit3A_87 = arith.constant 7 : i32
    %broadcast_in_dim3A_88 = vector.broadcast %jit3A_87 : i32 to vector<2048x128xi32>
    %select_n3A_89 = arith.select %lt3A_86, %broadcast_in_dim3A_88, %select_n3A_79 : vector<2048x128xi1>, vector<2048x128xi32>
    %min3A_90 = arith.minimumf %min3A_80, %sub3A_85 : vector<2048x128xf32>
    %slice3A_91 = vector.extract_strided_slice %dot_general3A_13 {offsets = [0, 1024], sizes = [2048, 128], strides = [1, 1]} : vector<2048x2048xf32> to vector<2048x128xf32>
    %slice3A_92 = vector.extract_strided_slice %get3A_16 {offsets = [0, 1024], sizes = [1, 128], strides = [1, 1]} : vector<1x2048xf32> to vector<1x128xf32>
    %add3A_93 = vector.broadcast %slice3A_92 : vector<1x128xf32> to vector<2048x128xf32>
    %add3A_94 = arith.addf %broadcast_in_dim3A_4, %add3A_93 : vector<2048x128xf32>
    %sub3A_95 = arith.subf %add3A_94, %slice3A_91 : vector<2048x128xf32>
    %lt3A_96 = arith.cmpf olt, %sub3A_95, %min3A_90 : vector<2048x128xf32>
    %jit3A_97 = arith.constant 8 : i32
    %broadcast_in_dim3A_98 = vector.broadcast %jit3A_97 : i32 to vector<2048x128xi32>
    %select_n3A_99 = arith.select %lt3A_96, %broadcast_in_dim3A_98, %select_n3A_89 : vector<2048x128xi1>, vector<2048x128xi32>
    %min3A_100 = arith.minimumf %min3A_90, %sub3A_95 : vector<2048x128xf32>
    %slice3A_101 = vector.extract_strided_slice %dot_general3A_13 {offsets = [0, 1152], sizes = [2048, 128], strides = [1, 1]} : vector<2048x2048xf32> to vector<2048x128xf32>
    %slice3A_102 = vector.extract_strided_slice %get3A_16 {offsets = [0, 1152], sizes = [1, 128], strides = [1, 1]} : vector<1x2048xf32> to vector<1x128xf32>
    %add3A_103 = vector.broadcast %slice3A_102 : vector<1x128xf32> to vector<2048x128xf32>
    %add3A_104 = arith.addf %broadcast_in_dim3A_4, %add3A_103 : vector<2048x128xf32>
    %sub3A_105 = arith.subf %add3A_104, %slice3A_101 : vector<2048x128xf32>
    %lt3A_106 = arith.cmpf olt, %sub3A_105, %min3A_100 : vector<2048x128xf32>
    %jit3A_107 = arith.constant 9 : i32
    %broadcast_in_dim3A_108 = vector.broadcast %jit3A_107 : i32 to vector<2048x128xi32>
    %select_n3A_109 = arith.select %lt3A_106, %broadcast_in_dim3A_108, %select_n3A_99 : vector<2048x128xi1>, vector<2048x128xi32>
    %min3A_110 = arith.minimumf %min3A_100, %sub3A_105 : vector<2048x128xf32>
    %slice3A_111 = vector.extract_strided_slice %dot_general3A_13 {offsets = [0, 1280], sizes = [2048, 128], strides = [1, 1]} : vector<2048x2048xf32> to vector<2048x128xf32>
    %slice3A_112 = vector.extract_strided_slice %get3A_16 {offsets = [0, 1280], sizes = [1, 128], strides = [1, 1]} : vector<1x2048xf32> to vector<1x128xf32>
    %add3A_113 = vector.broadcast %slice3A_112 : vector<1x128xf32> to vector<2048x128xf32>
    %add3A_114 = arith.addf %broadcast_in_dim3A_4, %add3A_113 : vector<2048x128xf32>
    %sub3A_115 = arith.subf %add3A_114, %slice3A_111 : vector<2048x128xf32>
    %lt3A_116 = arith.cmpf olt, %sub3A_115, %min3A_110 : vector<2048x128xf32>
    %jit3A_117 = arith.constant 10 : i32
    %broadcast_in_dim3A_118 = vector.broadcast %jit3A_117 : i32 to vector<2048x128xi32>
    %select_n3A_119 = arith.select %lt3A_116, %broadcast_in_dim3A_118, %select_n3A_109 : vector<2048x128xi1>, vector<2048x128xi32>
    %min3A_120 = arith.minimumf %min3A_110, %sub3A_115 : vector<2048x128xf32>
    %slice3A_121 = vector.extract_strided_slice %dot_general3A_13 {offsets = [0, 1408], sizes = [2048, 128], strides = [1, 1]} : vector<2048x2048xf32> to vector<2048x128xf32>
    %slice3A_122 = vector.extract_strided_slice %get3A_16 {offsets = [0, 1408], sizes = [1, 128], strides = [1, 1]} : vector<1x2048xf32> to vector<1x128xf32>
    %add3A_123 = vector.broadcast %slice3A_122 : vector<1x128xf32> to vector<2048x128xf32>
    %add3A_124 = arith.addf %broadcast_in_dim3A_4, %add3A_123 : vector<2048x128xf32>
    %sub3A_125 = arith.subf %add3A_124, %slice3A_121 : vector<2048x128xf32>
    %lt3A_126 = arith.cmpf olt, %sub3A_125, %min3A_120 : vector<2048x128xf32>
    %jit3A_127 = arith.constant 11 : i32
    %broadcast_in_dim3A_128 = vector.broadcast %jit3A_127 : i32 to vector<2048x128xi32>
    %select_n3A_129 = arith.select %lt3A_126, %broadcast_in_dim3A_128, %select_n3A_119 : vector<2048x128xi1>, vector<2048x128xi32>
    %min3A_130 = arith.minimumf %min3A_120, %sub3A_125 : vector<2048x128xf32>
    %slice3A_131 = vector.extract_strided_slice %dot_general3A_13 {offsets = [0, 1536], sizes = [2048, 128], strides = [1, 1]} : vector<2048x2048xf32> to vector<2048x128xf32>
    %slice3A_132 = vector.extract_strided_slice %get3A_16 {offsets = [0, 1536], sizes = [1, 128], strides = [1, 1]} : vector<1x2048xf32> to vector<1x128xf32>
    %add3A_133 = vector.broadcast %slice3A_132 : vector<1x128xf32> to vector<2048x128xf32>
    %add3A_134 = arith.addf %broadcast_in_dim3A_4, %add3A_133 : vector<2048x128xf32>
    %sub3A_135 = arith.subf %add3A_134, %slice3A_131 : vector<2048x128xf32>
    %lt3A_136 = arith.cmpf olt, %sub3A_135, %min3A_130 : vector<2048x128xf32>
    %jit3A_137 = arith.constant 12 : i32
    %broadcast_in_dim3A_138 = vector.broadcast %jit3A_137 : i32 to vector<2048x128xi32>
    %select_n3A_139 = arith.select %lt3A_136, %broadcast_in_dim3A_138, %select_n3A_129 : vector<2048x128xi1>, vector<2048x128xi32>
    %min3A_140 = arith.minimumf %min3A_130, %sub3A_135 : vector<2048x128xf32>
    %slice3A_141 = vector.extract_strided_slice %dot_general3A_13 {offsets = [0, 1664], sizes = [2048, 128], strides = [1, 1]} : vector<2048x2048xf32> to vector<2048x128xf32>
    %slice3A_142 = vector.extract_strided_slice %get3A_16 {offsets = [0, 1664], sizes = [1, 128], strides = [1, 1]} : vector<1x2048xf32> to vector<1x128xf32>
    %add3A_143 = vector.broadcast %slice3A_142 : vector<1x128xf32> to vector<2048x128xf32>
    %add3A_144 = arith.addf %broadcast_in_dim3A_4, %add3A_143 : vector<2048x128xf32>
    %sub3A_145 = arith.subf %add3A_144, %slice3A_141 : vector<2048x128xf32>
    %lt3A_146 = arith.cmpf olt, %sub3A_145, %min3A_140 : vector<2048x128xf32>
    %jit3A_147 = arith.constant 13 : i32
    %broadcast_in_dim3A_148 = vector.broadcast %jit3A_147 : i32 to vector<2048x128xi32>
    %select_n3A_149 = arith.select %lt3A_146, %broadcast_in_dim3A_148, %select_n3A_139 : vector<2048x128xi1>, vector<2048x128xi32>
    %min3A_150 = arith.minimumf %min3A_140, %sub3A_145 : vector<2048x128xf32>
    %slice3A_151 = vector.extract_strided_slice %dot_general3A_13 {offsets = [0, 1792], sizes = [2048, 128], strides = [1, 1]} : vector<2048x2048xf32> to vector<2048x128xf32>
    %slice3A_152 = vector.extract_strided_slice %get3A_16 {offsets = [0, 1792], sizes = [1, 128], strides = [1, 1]} : vector<1x2048xf32> to vector<1x128xf32>
    %add3A_153 = vector.broadcast %slice3A_152 : vector<1x128xf32> to vector<2048x128xf32>
    %add3A_154 = arith.addf %broadcast_in_dim3A_4, %add3A_153 : vector<2048x128xf32>
    %sub3A_155 = arith.subf %add3A_154, %slice3A_151 : vector<2048x128xf32>
    %lt3A_156 = arith.cmpf olt, %sub3A_155, %min3A_150 : vector<2048x128xf32>
    %jit3A_157 = arith.constant 14 : i32
    %broadcast_in_dim3A_158 = vector.broadcast %jit3A_157 : i32 to vector<2048x128xi32>
    %select_n3A_159 = arith.select %lt3A_156, %broadcast_in_dim3A_158, %select_n3A_149 : vector<2048x128xi1>, vector<2048x128xi32>
    %min3A_160 = arith.minimumf %min3A_150, %sub3A_155 : vector<2048x128xf32>
    %slice3A_161 = vector.extract_strided_slice %dot_general3A_13 {offsets = [0, 1920], sizes = [2048, 128], strides = [1, 1]} : vector<2048x2048xf32> to vector<2048x128xf32>
    %slice3A_162 = vector.extract_strided_slice %get3A_16 {offsets = [0, 1920], sizes = [1, 128], strides = [1, 1]} : vector<1x2048xf32> to vector<1x128xf32>
    %add3A_163 = vector.broadcast %slice3A_162 : vector<1x128xf32> to vector<2048x128xf32>
    %add3A_164 = arith.addf %broadcast_in_dim3A_4, %add3A_163 : vector<2048x128xf32>
    %sub3A_165 = arith.subf %add3A_164, %slice3A_161 : vector<2048x128xf32>
    %lt3A_166 = arith.cmpf olt, %sub3A_165, %min3A_160 : vector<2048x128xf32>
    %jit3A_167 = arith.constant 15 : i32
    %broadcast_in_dim3A_168 = vector.broadcast %jit3A_167 : i32 to vector<2048x128xi32>
    %select_n3A_169 = arith.select %lt3A_166, %broadcast_in_dim3A_168, %select_n3A_159 : vector<2048x128xi1>, vector<2048x128xi32>
    %min3A_170 = arith.minimumf %min3A_160, %sub3A_165 : vector<2048x128xf32>
    %get3A_171 = arith.constant 2048 : index
    %get3A_172 = arith.constant 0 : index
    %get3A_173 = vector.load %arg2[%get3A_171, %get3A_172] : memref<8192x256xf32, #tpu.memory_space<vmem>>, vector<2048x256xf32>
    %convert_element_type3A_174 = arith.truncf %get3A_173 : vector<2048x256xf32> to vector<2048x256xbf16>
    %dot_general3A_175 = arith.constant dense<0.000000e+00> : vector<2048x2048xf32>
    %dot_general3A_176 = tpu.matmul %convert_element_type3A, %convert_element_type3A_174, %dot_general3A_175 {dimension_numbers = #tpu.dot_dimension_numbers<[1], [1], [0], [0], [0, 0, 1, 0], [], []>, transpose_lhs_hint = false} : vector<2048x256xbf16>, vector<2048x256xbf16>, vector<2048x2048xf32> -> vector<2048x2048xf32>
    %get3A_177 = arith.constant 0 : index
    %get3A_178 = arith.constant 2048 : index
    %get3A_179 = vector.load %arg3[%get3A_177, %get3A_178] : memref<1x8192xf32, #tpu.memory_space<vmem>>, vector<1x2048xf32>
    %slice3A_180 = vector.extract_strided_slice %dot_general3A_176 {offsets = [0, 0], sizes = [2048, 128], strides = [1, 1]} : vector<2048x2048xf32> to vector<2048x128xf32>
    %slice3A_181 = vector.extract_strided_slice %get3A_179 {offsets = [0, 0], sizes = [1, 128], strides = [1, 1]} : vector<1x2048xf32> to vector<1x128xf32>
    %add3A_182 = vector.broadcast %slice3A_181 : vector<1x128xf32> to vector<2048x128xf32>
    %add3A_183 = arith.addf %broadcast_in_dim3A_4, %add3A_182 : vector<2048x128xf32>
    %sub3A_184 = arith.subf %add3A_183, %slice3A_180 : vector<2048x128xf32>
    %lt3A_185 = arith.cmpf olt, %sub3A_184, %min3A_170 : vector<2048x128xf32>
    %jit3A_186 = arith.constant 16 : i32
    %broadcast_in_dim3A_187 = vector.broadcast %jit3A_186 : i32 to vector<2048x128xi32>
    %select_n3A_188 = arith.select %lt3A_185, %broadcast_in_dim3A_187, %select_n3A_169 : vector<2048x128xi1>, vector<2048x128xi32>
    %min3A_189 = arith.minimumf %min3A_170, %sub3A_184 : vector<2048x128xf32>
    %slice3A_190 = vector.extract_strided_slice %dot_general3A_176 {offsets = [0, 128], sizes = [2048, 128], strides = [1, 1]} : vector<2048x2048xf32> to vector<2048x128xf32>
    %slice3A_191 = vector.extract_strided_slice %get3A_179 {offsets = [0, 128], sizes = [1, 128], strides = [1, 1]} : vector<1x2048xf32> to vector<1x128xf32>
    %add3A_192 = vector.broadcast %slice3A_191 : vector<1x128xf32> to vector<2048x128xf32>
    %add3A_193 = arith.addf %broadcast_in_dim3A_4, %add3A_192 : vector<2048x128xf32>
    %sub3A_194 = arith.subf %add3A_193, %slice3A_190 : vector<2048x128xf32>
    %lt3A_195 = arith.cmpf olt, %sub3A_194, %min3A_189 : vector<2048x128xf32>
    %jit3A_196 = arith.constant 17 : i32
    %broadcast_in_dim3A_197 = vector.broadcast %jit3A_196 : i32 to vector<2048x128xi32>
    %select_n3A_198 = arith.select %lt3A_195, %broadcast_in_dim3A_197, %select_n3A_188 : vector<2048x128xi1>, vector<2048x128xi32>
    %min3A_199 = arith.minimumf %min3A_189, %sub3A_194 : vector<2048x128xf32>
    %slice3A_200 = vector.extract_strided_slice %dot_general3A_176 {offsets = [0, 256], sizes = [2048, 128], strides = [1, 1]} : vector<2048x2048xf32> to vector<2048x128xf32>
    %slice3A_201 = vector.extract_strided_slice %get3A_179 {offsets = [0, 256], sizes = [1, 128], strides = [1, 1]} : vector<1x2048xf32> to vector<1x128xf32>
    %add3A_202 = vector.broadcast %slice3A_201 : vector<1x128xf32> to vector<2048x128xf32>
    %add3A_203 = arith.addf %broadcast_in_dim3A_4, %add3A_202 : vector<2048x128xf32>
    %sub3A_204 = arith.subf %add3A_203, %slice3A_200 : vector<2048x128xf32>
    %lt3A_205 = arith.cmpf olt, %sub3A_204, %min3A_199 : vector<2048x128xf32>
    %jit3A_206 = arith.constant 18 : i32
    %broadcast_in_dim3A_207 = vector.broadcast %jit3A_206 : i32 to vector<2048x128xi32>
    %select_n3A_208 = arith.select %lt3A_205, %broadcast_in_dim3A_207, %select_n3A_198 : vector<2048x128xi1>, vector<2048x128xi32>
    %min3A_209 = arith.minimumf %min3A_199, %sub3A_204 : vector<2048x128xf32>
    %slice3A_210 = vector.extract_strided_slice %dot_general3A_176 {offsets = [0, 384], sizes = [2048, 128], strides = [1, 1]} : vector<2048x2048xf32> to vector<2048x128xf32>
    %slice3A_211 = vector.extract_strided_slice %get3A_179 {offsets = [0, 384], sizes = [1, 128], strides = [1, 1]} : vector<1x2048xf32> to vector<1x128xf32>
    %add3A_212 = vector.broadcast %slice3A_211 : vector<1x128xf32> to vector<2048x128xf32>
    %add3A_213 = arith.addf %broadcast_in_dim3A_4, %add3A_212 : vector<2048x128xf32>
    %sub3A_214 = arith.subf %add3A_213, %slice3A_210 : vector<2048x128xf32>
    %lt3A_215 = arith.cmpf olt, %sub3A_214, %min3A_209 : vector<2048x128xf32>
    %jit3A_216 = arith.constant 19 : i32
    %broadcast_in_dim3A_217 = vector.broadcast %jit3A_216 : i32 to vector<2048x128xi32>
    %select_n3A_218 = arith.select %lt3A_215, %broadcast_in_dim3A_217, %select_n3A_208 : vector<2048x128xi1>, vector<2048x128xi32>
    %min3A_219 = arith.minimumf %min3A_209, %sub3A_214 : vector<2048x128xf32>
    %slice3A_220 = vector.extract_strided_slice %dot_general3A_176 {offsets = [0, 512], sizes = [2048, 128], strides = [1, 1]} : vector<2048x2048xf32> to vector<2048x128xf32>
    %slice3A_221 = vector.extract_strided_slice %get3A_179 {offsets = [0, 512], sizes = [1, 128], strides = [1, 1]} : vector<1x2048xf32> to vector<1x128xf32>
    %add3A_222 = vector.broadcast %slice3A_221 : vector<1x128xf32> to vector<2048x128xf32>
    %add3A_223 = arith.addf %broadcast_in_dim3A_4, %add3A_222 : vector<2048x128xf32>
    %sub3A_224 = arith.subf %add3A_223, %slice3A_220 : vector<2048x128xf32>
    %lt3A_225 = arith.cmpf olt, %sub3A_224, %min3A_219 : vector<2048x128xf32>
    %jit3A_226 = arith.constant 20 : i32
    %broadcast_in_dim3A_227 = vector.broadcast %jit3A_226 : i32 to vector<2048x128xi32>
    %select_n3A_228 = arith.select %lt3A_225, %broadcast_in_dim3A_227, %select_n3A_218 : vector<2048x128xi1>, vector<2048x128xi32>
    %min3A_229 = arith.minimumf %min3A_219, %sub3A_224 : vector<2048x128xf32>
    %slice3A_230 = vector.extract_strided_slice %dot_general3A_176 {offsets = [0, 640], sizes = [2048, 128], strides = [1, 1]} : vector<2048x2048xf32> to vector<2048x128xf32>
    %slice3A_231 = vector.extract_strided_slice %get3A_179 {offsets = [0, 640], sizes = [1, 128], strides = [1, 1]} : vector<1x2048xf32> to vector<1x128xf32>
    %add3A_232 = vector.broadcast %slice3A_231 : vector<1x128xf32> to vector<2048x128xf32>
    %add3A_233 = arith.addf %broadcast_in_dim3A_4, %add3A_232 : vector<2048x128xf32>
    %sub3A_234 = arith.subf %add3A_233, %slice3A_230 : vector<2048x128xf32>
    %lt3A_235 = arith.cmpf olt, %sub3A_234, %min3A_229 : vector<2048x128xf32>
    %jit3A_236 = arith.constant 21 : i32
    %broadcast_in_dim3A_237 = vector.broadcast %jit3A_236 : i32 to vector<2048x128xi32>
    %select_n3A_238 = arith.select %lt3A_235, %broadcast_in_dim3A_237, %select_n3A_228 : vector<2048x128xi1>, vector<2048x128xi32>
    %min3A_239 = arith.minimumf %min3A_229, %sub3A_234 : vector<2048x128xf32>
    %slice3A_240 = vector.extract_strided_slice %dot_general3A_176 {offsets = [0, 768], sizes = [2048, 128], strides = [1, 1]} : vector<2048x2048xf32> to vector<2048x128xf32>
    %slice3A_241 = vector.extract_strided_slice %get3A_179 {offsets = [0, 768], sizes = [1, 128], strides = [1, 1]} : vector<1x2048xf32> to vector<1x128xf32>
    %add3A_242 = vector.broadcast %slice3A_241 : vector<1x128xf32> to vector<2048x128xf32>
    %add3A_243 = arith.addf %broadcast_in_dim3A_4, %add3A_242 : vector<2048x128xf32>
    %sub3A_244 = arith.subf %add3A_243, %slice3A_240 : vector<2048x128xf32>
    %lt3A_245 = arith.cmpf olt, %sub3A_244, %min3A_239 : vector<2048x128xf32>
    %jit3A_246 = arith.constant 22 : i32
    %broadcast_in_dim3A_247 = vector.broadcast %jit3A_246 : i32 to vector<2048x128xi32>
    %select_n3A_248 = arith.select %lt3A_245, %broadcast_in_dim3A_247, %select_n3A_238 : vector<2048x128xi1>, vector<2048x128xi32>
    %min3A_249 = arith.minimumf %min3A_239, %sub3A_244 : vector<2048x128xf32>
    %slice3A_250 = vector.extract_strided_slice %dot_general3A_176 {offsets = [0, 896], sizes = [2048, 128], strides = [1, 1]} : vector<2048x2048xf32> to vector<2048x128xf32>
    %slice3A_251 = vector.extract_strided_slice %get3A_179 {offsets = [0, 896], sizes = [1, 128], strides = [1, 1]} : vector<1x2048xf32> to vector<1x128xf32>
    %add3A_252 = vector.broadcast %slice3A_251 : vector<1x128xf32> to vector<2048x128xf32>
    %add3A_253 = arith.addf %broadcast_in_dim3A_4, %add3A_252 : vector<2048x128xf32>
    %sub3A_254 = arith.subf %add3A_253, %slice3A_250 : vector<2048x128xf32>
    %lt3A_255 = arith.cmpf olt, %sub3A_254, %min3A_249 : vector<2048x128xf32>
    %jit3A_256 = arith.constant 23 : i32
    %broadcast_in_dim3A_257 = vector.broadcast %jit3A_256 : i32 to vector<2048x128xi32>
    %select_n3A_258 = arith.select %lt3A_255, %broadcast_in_dim3A_257, %select_n3A_248 : vector<2048x128xi1>, vector<2048x128xi32>
    %min3A_259 = arith.minimumf %min3A_249, %sub3A_254 : vector<2048x128xf32>
    %slice3A_260 = vector.extract_strided_slice %dot_general3A_176 {offsets = [0, 1024], sizes = [2048, 128], strides = [1, 1]} : vector<2048x2048xf32> to vector<2048x128xf32>
    %slice3A_261 = vector.extract_strided_slice %get3A_179 {offsets = [0, 1024], sizes = [1, 128], strides = [1, 1]} : vector<1x2048xf32> to vector<1x128xf32>
    %add3A_262 = vector.broadcast %slice3A_261 : vector<1x128xf32> to vector<2048x128xf32>
    %add3A_263 = arith.addf %broadcast_in_dim3A_4, %add3A_262 : vector<2048x128xf32>
    %sub3A_264 = arith.subf %add3A_263, %slice3A_260 : vector<2048x128xf32>
    %lt3A_265 = arith.cmpf olt, %sub3A_264, %min3A_259 : vector<2048x128xf32>
    %jit3A_266 = arith.constant 24 : i32
    %broadcast_in_dim3A_267 = vector.broadcast %jit3A_266 : i32 to vector<2048x128xi32>
    %select_n3A_268 = arith.select %lt3A_265, %broadcast_in_dim3A_267, %select_n3A_258 : vector<2048x128xi1>, vector<2048x128xi32>
    %min3A_269 = arith.minimumf %min3A_259, %sub3A_264 : vector<2048x128xf32>
    %slice3A_270 = vector.extract_strided_slice %dot_general3A_176 {offsets = [0, 1152], sizes = [2048, 128], strides = [1, 1]} : vector<2048x2048xf32> to vector<2048x128xf32>
    %slice3A_271 = vector.extract_strided_slice %get3A_179 {offsets = [0, 1152], sizes = [1, 128], strides = [1, 1]} : vector<1x2048xf32> to vector<1x128xf32>
    %add3A_272 = vector.broadcast %slice3A_271 : vector<1x128xf32> to vector<2048x128xf32>
    %add3A_273 = arith.addf %broadcast_in_dim3A_4, %add3A_272 : vector<2048x128xf32>
    %sub3A_274 = arith.subf %add3A_273, %slice3A_270 : vector<2048x128xf32>
    %lt3A_275 = arith.cmpf olt, %sub3A_274, %min3A_269 : vector<2048x128xf32>
    %jit3A_276 = arith.constant 25 : i32
    %broadcast_in_dim3A_277 = vector.broadcast %jit3A_276 : i32 to vector<2048x128xi32>
    %select_n3A_278 = arith.select %lt3A_275, %broadcast_in_dim3A_277, %select_n3A_268 : vector<2048x128xi1>, vector<2048x128xi32>
    %min3A_279 = arith.minimumf %min3A_269, %sub3A_274 : vector<2048x128xf32>
    %slice3A_280 = vector.extract_strided_slice %dot_general3A_176 {offsets = [0, 1280], sizes = [2048, 128], strides = [1, 1]} : vector<2048x2048xf32> to vector<2048x128xf32>
    %slice3A_281 = vector.extract_strided_slice %get3A_179 {offsets = [0, 1280], sizes = [1, 128], strides = [1, 1]} : vector<1x2048xf32> to vector<1x128xf32>
    %add3A_282 = vector.broadcast %slice3A_281 : vector<1x128xf32> to vector<2048x128xf32>
    %add3A_283 = arith.addf %broadcast_in_dim3A_4, %add3A_282 : vector<2048x128xf32>
    %sub3A_284 = arith.subf %add3A_283, %slice3A_280 : vector<2048x128xf32>
    %lt3A_285 = arith.cmpf olt, %sub3A_284, %min3A_279 : vector<2048x128xf32>
    %jit3A_286 = arith.constant 26 : i32
    %broadcast_in_dim3A_287 = vector.broadcast %jit3A_286 : i32 to vector<2048x128xi32>
    %select_n3A_288 = arith.select %lt3A_285, %broadcast_in_dim3A_287, %select_n3A_278 : vector<2048x128xi1>, vector<2048x128xi32>
    %min3A_289 = arith.minimumf %min3A_279, %sub3A_284 : vector<2048x128xf32>
    %slice3A_290 = vector.extract_strided_slice %dot_general3A_176 {offsets = [0, 1408], sizes = [2048, 128], strides = [1, 1]} : vector<2048x2048xf32> to vector<2048x128xf32>
    %slice3A_291 = vector.extract_strided_slice %get3A_179 {offsets = [0, 1408], sizes = [1, 128], strides = [1, 1]} : vector<1x2048xf32> to vector<1x128xf32>
    %add3A_292 = vector.broadcast %slice3A_291 : vector<1x128xf32> to vector<2048x128xf32>
    %add3A_293 = arith.addf %broadcast_in_dim3A_4, %add3A_292 : vector<2048x128xf32>
    %sub3A_294 = arith.subf %add3A_293, %slice3A_290 : vector<2048x128xf32>
    %lt3A_295 = arith.cmpf olt, %sub3A_294, %min3A_289 : vector<2048x128xf32>
    %jit3A_296 = arith.constant 27 : i32
    %broadcast_in_dim3A_297 = vector.broadcast %jit3A_296 : i32 to vector<2048x128xi32>
    %select_n3A_298 = arith.select %lt3A_295, %broadcast_in_dim3A_297, %select_n3A_288 : vector<2048x128xi1>, vector<2048x128xi32>
    %min3A_299 = arith.minimumf %min3A_289, %sub3A_294 : vector<2048x128xf32>
    %slice3A_300 = vector.extract_strided_slice %dot_general3A_176 {offsets = [0, 1536], sizes = [2048, 128], strides = [1, 1]} : vector<2048x2048xf32> to vector<2048x128xf32>
    %slice3A_301 = vector.extract_strided_slice %get3A_179 {offsets = [0, 1536], sizes = [1, 128], strides = [1, 1]} : vector<1x2048xf32> to vector<1x128xf32>
    %add3A_302 = vector.broadcast %slice3A_301 : vector<1x128xf32> to vector<2048x128xf32>
    %add3A_303 = arith.addf %broadcast_in_dim3A_4, %add3A_302 : vector<2048x128xf32>
    %sub3A_304 = arith.subf %add3A_303, %slice3A_300 : vector<2048x128xf32>
    %lt3A_305 = arith.cmpf olt, %sub3A_304, %min3A_299 : vector<2048x128xf32>
    %jit3A_306 = arith.constant 28 : i32
    %broadcast_in_dim3A_307 = vector.broadcast %jit3A_306 : i32 to vector<2048x128xi32>
    %select_n3A_308 = arith.select %lt3A_305, %broadcast_in_dim3A_307, %select_n3A_298 : vector<2048x128xi1>, vector<2048x128xi32>
    %min3A_309 = arith.minimumf %min3A_299, %sub3A_304 : vector<2048x128xf32>
    %slice3A_310 = vector.extract_strided_slice %dot_general3A_176 {offsets = [0, 1664], sizes = [2048, 128], strides = [1, 1]} : vector<2048x2048xf32> to vector<2048x128xf32>
    %slice3A_311 = vector.extract_strided_slice %get3A_179 {offsets = [0, 1664], sizes = [1, 128], strides = [1, 1]} : vector<1x2048xf32> to vector<1x128xf32>
    %add3A_312 = vector.broadcast %slice3A_311 : vector<1x128xf32> to vector<2048x128xf32>
    %add3A_313 = arith.addf %broadcast_in_dim3A_4, %add3A_312 : vector<2048x128xf32>
    %sub3A_314 = arith.subf %add3A_313, %slice3A_310 : vector<2048x128xf32>
    %lt3A_315 = arith.cmpf olt, %sub3A_314, %min3A_309 : vector<2048x128xf32>
    %jit3A_316 = arith.constant 29 : i32
    %broadcast_in_dim3A_317 = vector.broadcast %jit3A_316 : i32 to vector<2048x128xi32>
    %select_n3A_318 = arith.select %lt3A_315, %broadcast_in_dim3A_317, %select_n3A_308 : vector<2048x128xi1>, vector<2048x128xi32>
    %min3A_319 = arith.minimumf %min3A_309, %sub3A_314 : vector<2048x128xf32>
    %slice3A_320 = vector.extract_strided_slice %dot_general3A_176 {offsets = [0, 1792], sizes = [2048, 128], strides = [1, 1]} : vector<2048x2048xf32> to vector<2048x128xf32>
    %slice3A_321 = vector.extract_strided_slice %get3A_179 {offsets = [0, 1792], sizes = [1, 128], strides = [1, 1]} : vector<1x2048xf32> to vector<1x128xf32>
    %add3A_322 = vector.broadcast %slice3A_321 : vector<1x128xf32> to vector<2048x128xf32>
    %add3A_323 = arith.addf %broadcast_in_dim3A_4, %add3A_322 : vector<2048x128xf32>
    %sub3A_324 = arith.subf %add3A_323, %slice3A_320 : vector<2048x128xf32>
    %lt3A_325 = arith.cmpf olt, %sub3A_324, %min3A_319 : vector<2048x128xf32>
    %jit3A_326 = arith.constant 30 : i32
    %broadcast_in_dim3A_327 = vector.broadcast %jit3A_326 : i32 to vector<2048x128xi32>
    %select_n3A_328 = arith.select %lt3A_325, %broadcast_in_dim3A_327, %select_n3A_318 : vector<2048x128xi1>, vector<2048x128xi32>
    %min3A_329 = arith.minimumf %min3A_319, %sub3A_324 : vector<2048x128xf32>
    %slice3A_330 = vector.extract_strided_slice %dot_general3A_176 {offsets = [0, 1920], sizes = [2048, 128], strides = [1, 1]} : vector<2048x2048xf32> to vector<2048x128xf32>
    %slice3A_331 = vector.extract_strided_slice %get3A_179 {offsets = [0, 1920], sizes = [1, 128], strides = [1, 1]} : vector<1x2048xf32> to vector<1x128xf32>
    %add3A_332 = vector.broadcast %slice3A_331 : vector<1x128xf32> to vector<2048x128xf32>
    %add3A_333 = arith.addf %broadcast_in_dim3A_4, %add3A_332 : vector<2048x128xf32>
    %sub3A_334 = arith.subf %add3A_333, %slice3A_330 : vector<2048x128xf32>
    %lt3A_335 = arith.cmpf olt, %sub3A_334, %min3A_329 : vector<2048x128xf32>
    %jit3A_336 = arith.constant 31 : i32
    %broadcast_in_dim3A_337 = vector.broadcast %jit3A_336 : i32 to vector<2048x128xi32>
    %select_n3A_338 = arith.select %lt3A_335, %broadcast_in_dim3A_337, %select_n3A_328 : vector<2048x128xi1>, vector<2048x128xi32>
    %min3A_339 = arith.minimumf %min3A_329, %sub3A_334 : vector<2048x128xf32>
    %get3A_340 = arith.constant 4096 : index
    %get3A_341 = arith.constant 0 : index
    %get3A_342 = vector.load %arg2[%get3A_340, %get3A_341] : memref<8192x256xf32, #tpu.memory_space<vmem>>, vector<2048x256xf32>
    %convert_element_type3A_343 = arith.truncf %get3A_342 : vector<2048x256xf32> to vector<2048x256xbf16>
    %dot_general3A_344 = arith.constant dense<0.000000e+00> : vector<2048x2048xf32>
    %dot_general3A_345 = tpu.matmul %convert_element_type3A, %convert_element_type3A_343, %dot_general3A_344 {dimension_numbers = #tpu.dot_dimension_numbers<[1], [1], [0], [0], [0, 0, 1, 0], [], []>, transpose_lhs_hint = false} : vector<2048x256xbf16>, vector<2048x256xbf16>, vector<2048x2048xf32> -> vector<2048x2048xf32>
    %get3A_346 = arith.constant 0 : index
    %get3A_347 = arith.constant 4096 : index
    %get3A_348 = vector.load %arg3[%get3A_346, %get3A_347] : memref<1x8192xf32, #tpu.memory_space<vmem>>, vector<1x2048xf32>
    %slice3A_349 = vector.extract_strided_slice %dot_general3A_345 {offsets = [0, 0], sizes = [2048, 128], strides = [1, 1]} : vector<2048x2048xf32> to vector<2048x128xf32>
    %slice3A_350 = vector.extract_strided_slice %get3A_348 {offsets = [0, 0], sizes = [1, 128], strides = [1, 1]} : vector<1x2048xf32> to vector<1x128xf32>
    %add3A_351 = vector.broadcast %slice3A_350 : vector<1x128xf32> to vector<2048x128xf32>
    %add3A_352 = arith.addf %broadcast_in_dim3A_4, %add3A_351 : vector<2048x128xf32>
    %sub3A_353 = arith.subf %add3A_352, %slice3A_349 : vector<2048x128xf32>
    %lt3A_354 = arith.cmpf olt, %sub3A_353, %min3A_339 : vector<2048x128xf32>
    %jit3A_355 = arith.constant 32 : i32
    %broadcast_in_dim3A_356 = vector.broadcast %jit3A_355 : i32 to vector<2048x128xi32>
    %select_n3A_357 = arith.select %lt3A_354, %broadcast_in_dim3A_356, %select_n3A_338 : vector<2048x128xi1>, vector<2048x128xi32>
    %min3A_358 = arith.minimumf %min3A_339, %sub3A_353 : vector<2048x128xf32>
    %slice3A_359 = vector.extract_strided_slice %dot_general3A_345 {offsets = [0, 128], sizes = [2048, 128], strides = [1, 1]} : vector<2048x2048xf32> to vector<2048x128xf32>
    %slice3A_360 = vector.extract_strided_slice %get3A_348 {offsets = [0, 128], sizes = [1, 128], strides = [1, 1]} : vector<1x2048xf32> to vector<1x128xf32>
    %add3A_361 = vector.broadcast %slice3A_360 : vector<1x128xf32> to vector<2048x128xf32>
    %add3A_362 = arith.addf %broadcast_in_dim3A_4, %add3A_361 : vector<2048x128xf32>
    %sub3A_363 = arith.subf %add3A_362, %slice3A_359 : vector<2048x128xf32>
    %lt3A_364 = arith.cmpf olt, %sub3A_363, %min3A_358 : vector<2048x128xf32>
    %jit3A_365 = arith.constant 33 : i32
    %broadcast_in_dim3A_366 = vector.broadcast %jit3A_365 : i32 to vector<2048x128xi32>
    %select_n3A_367 = arith.select %lt3A_364, %broadcast_in_dim3A_366, %select_n3A_357 : vector<2048x128xi1>, vector<2048x128xi32>
    %min3A_368 = arith.minimumf %min3A_358, %sub3A_363 : vector<2048x128xf32>
    %slice3A_369 = vector.extract_strided_slice %dot_general3A_345 {offsets = [0, 256], sizes = [2048, 128], strides = [1, 1]} : vector<2048x2048xf32> to vector<2048x128xf32>
    %slice3A_370 = vector.extract_strided_slice %get3A_348 {offsets = [0, 256], sizes = [1, 128], strides = [1, 1]} : vector<1x2048xf32> to vector<1x128xf32>
    %add3A_371 = vector.broadcast %slice3A_370 : vector<1x128xf32> to vector<2048x128xf32>
    %add3A_372 = arith.addf %broadcast_in_dim3A_4, %add3A_371 : vector<2048x128xf32>
    %sub3A_373 = arith.subf %add3A_372, %slice3A_369 : vector<2048x128xf32>
    %lt3A_374 = arith.cmpf olt, %sub3A_373, %min3A_368 : vector<2048x128xf32>
    %jit3A_375 = arith.constant 34 : i32
    %broadcast_in_dim3A_376 = vector.broadcast %jit3A_375 : i32 to vector<2048x128xi32>
    %select_n3A_377 = arith.select %lt3A_374, %broadcast_in_dim3A_376, %select_n3A_367 : vector<2048x128xi1>, vector<2048x128xi32>
    %min3A_378 = arith.minimumf %min3A_368, %sub3A_373 : vector<2048x128xf32>
    %slice3A_379 = vector.extract_strided_slice %dot_general3A_345 {offsets = [0, 384], sizes = [2048, 128], strides = [1, 1]} : vector<2048x2048xf32> to vector<2048x128xf32>
    %slice3A_380 = vector.extract_strided_slice %get3A_348 {offsets = [0, 384], sizes = [1, 128], strides = [1, 1]} : vector<1x2048xf32> to vector<1x128xf32>
    %add3A_381 = vector.broadcast %slice3A_380 : vector<1x128xf32> to vector<2048x128xf32>
    %add3A_382 = arith.addf %broadcast_in_dim3A_4, %add3A_381 : vector<2048x128xf32>
    %sub3A_383 = arith.subf %add3A_382, %slice3A_379 : vector<2048x128xf32>
    %lt3A_384 = arith.cmpf olt, %sub3A_383, %min3A_378 : vector<2048x128xf32>
    %jit3A_385 = arith.constant 35 : i32
    %broadcast_in_dim3A_386 = vector.broadcast %jit3A_385 : i32 to vector<2048x128xi32>
    %select_n3A_387 = arith.select %lt3A_384, %broadcast_in_dim3A_386, %select_n3A_377 : vector<2048x128xi1>, vector<2048x128xi32>
    %min3A_388 = arith.minimumf %min3A_378, %sub3A_383 : vector<2048x128xf32>
    %slice3A_389 = vector.extract_strided_slice %dot_general3A_345 {offsets = [0, 512], sizes = [2048, 128], strides = [1, 1]} : vector<2048x2048xf32> to vector<2048x128xf32>
    %slice3A_390 = vector.extract_strided_slice %get3A_348 {offsets = [0, 512], sizes = [1, 128], strides = [1, 1]} : vector<1x2048xf32> to vector<1x128xf32>
    %add3A_391 = vector.broadcast %slice3A_390 : vector<1x128xf32> to vector<2048x128xf32>
    %add3A_392 = arith.addf %broadcast_in_dim3A_4, %add3A_391 : vector<2048x128xf32>
    %sub3A_393 = arith.subf %add3A_392, %slice3A_389 : vector<2048x128xf32>
    %lt3A_394 = arith.cmpf olt, %sub3A_393, %min3A_388 : vector<2048x128xf32>
    %jit3A_395 = arith.constant 36 : i32
    %broadcast_in_dim3A_396 = vector.broadcast %jit3A_395 : i32 to vector<2048x128xi32>
    %select_n3A_397 = arith.select %lt3A_394, %broadcast_in_dim3A_396, %select_n3A_387 : vector<2048x128xi1>, vector<2048x128xi32>
    %min3A_398 = arith.minimumf %min3A_388, %sub3A_393 : vector<2048x128xf32>
    %slice3A_399 = vector.extract_strided_slice %dot_general3A_345 {offsets = [0, 640], sizes = [2048, 128], strides = [1, 1]} : vector<2048x2048xf32> to vector<2048x128xf32>
    %slice3A_400 = vector.extract_strided_slice %get3A_348 {offsets = [0, 640], sizes = [1, 128], strides = [1, 1]} : vector<1x2048xf32> to vector<1x128xf32>
    %add3A_401 = vector.broadcast %slice3A_400 : vector<1x128xf32> to vector<2048x128xf32>
    %add3A_402 = arith.addf %broadcast_in_dim3A_4, %add3A_401 : vector<2048x128xf32>
    %sub3A_403 = arith.subf %add3A_402, %slice3A_399 : vector<2048x128xf32>
    %lt3A_404 = arith.cmpf olt, %sub3A_403, %min3A_398 : vector<2048x128xf32>
    %jit3A_405 = arith.constant 37 : i32
    %broadcast_in_dim3A_406 = vector.broadcast %jit3A_405 : i32 to vector<2048x128xi32>
    %select_n3A_407 = arith.select %lt3A_404, %broadcast_in_dim3A_406, %select_n3A_397 : vector<2048x128xi1>, vector<2048x128xi32>
    %min3A_408 = arith.minimumf %min3A_398, %sub3A_403 : vector<2048x128xf32>
    %slice3A_409 = vector.extract_strided_slice %dot_general3A_345 {offsets = [0, 768], sizes = [2048, 128], strides = [1, 1]} : vector<2048x2048xf32> to vector<2048x128xf32>
    %slice3A_410 = vector.extract_strided_slice %get3A_348 {offsets = [0, 768], sizes = [1, 128], strides = [1, 1]} : vector<1x2048xf32> to vector<1x128xf32>
    %add3A_411 = vector.broadcast %slice3A_410 : vector<1x128xf32> to vector<2048x128xf32>
    %add3A_412 = arith.addf %broadcast_in_dim3A_4, %add3A_411 : vector<2048x128xf32>
    %sub3A_413 = arith.subf %add3A_412, %slice3A_409 : vector<2048x128xf32>
    %lt3A_414 = arith.cmpf olt, %sub3A_413, %min3A_408 : vector<2048x128xf32>
    %jit3A_415 = arith.constant 38 : i32
    %broadcast_in_dim3A_416 = vector.broadcast %jit3A_415 : i32 to vector<2048x128xi32>
    %select_n3A_417 = arith.select %lt3A_414, %broadcast_in_dim3A_416, %select_n3A_407 : vector<2048x128xi1>, vector<2048x128xi32>
    %min3A_418 = arith.minimumf %min3A_408, %sub3A_413 : vector<2048x128xf32>
    %slice3A_419 = vector.extract_strided_slice %dot_general3A_345 {offsets = [0, 896], sizes = [2048, 128], strides = [1, 1]} : vector<2048x2048xf32> to vector<2048x128xf32>
    %slice3A_420 = vector.extract_strided_slice %get3A_348 {offsets = [0, 896], sizes = [1, 128], strides = [1, 1]} : vector<1x2048xf32> to vector<1x128xf32>
    %add3A_421 = vector.broadcast %slice3A_420 : vector<1x128xf32> to vector<2048x128xf32>
    %add3A_422 = arith.addf %broadcast_in_dim3A_4, %add3A_421 : vector<2048x128xf32>
    %sub3A_423 = arith.subf %add3A_422, %slice3A_419 : vector<2048x128xf32>
    %lt3A_424 = arith.cmpf olt, %sub3A_423, %min3A_418 : vector<2048x128xf32>
    %jit3A_425 = arith.constant 39 : i32
    %broadcast_in_dim3A_426 = vector.broadcast %jit3A_425 : i32 to vector<2048x128xi32>
    %select_n3A_427 = arith.select %lt3A_424, %broadcast_in_dim3A_426, %select_n3A_417 : vector<2048x128xi1>, vector<2048x128xi32>
    %min3A_428 = arith.minimumf %min3A_418, %sub3A_423 : vector<2048x128xf32>
    %slice3A_429 = vector.extract_strided_slice %dot_general3A_345 {offsets = [0, 1024], sizes = [2048, 128], strides = [1, 1]} : vector<2048x2048xf32> to vector<2048x128xf32>
    %slice3A_430 = vector.extract_strided_slice %get3A_348 {offsets = [0, 1024], sizes = [1, 128], strides = [1, 1]} : vector<1x2048xf32> to vector<1x128xf32>
    %add3A_431 = vector.broadcast %slice3A_430 : vector<1x128xf32> to vector<2048x128xf32>
    %add3A_432 = arith.addf %broadcast_in_dim3A_4, %add3A_431 : vector<2048x128xf32>
    %sub3A_433 = arith.subf %add3A_432, %slice3A_429 : vector<2048x128xf32>
    %lt3A_434 = arith.cmpf olt, %sub3A_433, %min3A_428 : vector<2048x128xf32>
    %jit3A_435 = arith.constant 40 : i32
    %broadcast_in_dim3A_436 = vector.broadcast %jit3A_435 : i32 to vector<2048x128xi32>
    %select_n3A_437 = arith.select %lt3A_434, %broadcast_in_dim3A_436, %select_n3A_427 : vector<2048x128xi1>, vector<2048x128xi32>
    %min3A_438 = arith.minimumf %min3A_428, %sub3A_433 : vector<2048x128xf32>
    %slice3A_439 = vector.extract_strided_slice %dot_general3A_345 {offsets = [0, 1152], sizes = [2048, 128], strides = [1, 1]} : vector<2048x2048xf32> to vector<2048x128xf32>
    %slice3A_440 = vector.extract_strided_slice %get3A_348 {offsets = [0, 1152], sizes = [1, 128], strides = [1, 1]} : vector<1x2048xf32> to vector<1x128xf32>
    %add3A_441 = vector.broadcast %slice3A_440 : vector<1x128xf32> to vector<2048x128xf32>
    %add3A_442 = arith.addf %broadcast_in_dim3A_4, %add3A_441 : vector<2048x128xf32>
    %sub3A_443 = arith.subf %add3A_442, %slice3A_439 : vector<2048x128xf32>
    %lt3A_444 = arith.cmpf olt, %sub3A_443, %min3A_438 : vector<2048x128xf32>
    %jit3A_445 = arith.constant 41 : i32
    %broadcast_in_dim3A_446 = vector.broadcast %jit3A_445 : i32 to vector<2048x128xi32>
    %select_n3A_447 = arith.select %lt3A_444, %broadcast_in_dim3A_446, %select_n3A_437 : vector<2048x128xi1>, vector<2048x128xi32>
    %min3A_448 = arith.minimumf %min3A_438, %sub3A_443 : vector<2048x128xf32>
    %slice3A_449 = vector.extract_strided_slice %dot_general3A_345 {offsets = [0, 1280], sizes = [2048, 128], strides = [1, 1]} : vector<2048x2048xf32> to vector<2048x128xf32>
    %slice3A_450 = vector.extract_strided_slice %get3A_348 {offsets = [0, 1280], sizes = [1, 128], strides = [1, 1]} : vector<1x2048xf32> to vector<1x128xf32>
    %add3A_451 = vector.broadcast %slice3A_450 : vector<1x128xf32> to vector<2048x128xf32>
    %add3A_452 = arith.addf %broadcast_in_dim3A_4, %add3A_451 : vector<2048x128xf32>
    %sub3A_453 = arith.subf %add3A_452, %slice3A_449 : vector<2048x128xf32>
    %lt3A_454 = arith.cmpf olt, %sub3A_453, %min3A_448 : vector<2048x128xf32>
    %jit3A_455 = arith.constant 42 : i32
    %broadcast_in_dim3A_456 = vector.broadcast %jit3A_455 : i32 to vector<2048x128xi32>
    %select_n3A_457 = arith.select %lt3A_454, %broadcast_in_dim3A_456, %select_n3A_447 : vector<2048x128xi1>, vector<2048x128xi32>
    %min3A_458 = arith.minimumf %min3A_448, %sub3A_453 : vector<2048x128xf32>
    %slice3A_459 = vector.extract_strided_slice %dot_general3A_345 {offsets = [0, 1408], sizes = [2048, 128], strides = [1, 1]} : vector<2048x2048xf32> to vector<2048x128xf32>
    %slice3A_460 = vector.extract_strided_slice %get3A_348 {offsets = [0, 1408], sizes = [1, 128], strides = [1, 1]} : vector<1x2048xf32> to vector<1x128xf32>
    %add3A_461 = vector.broadcast %slice3A_460 : vector<1x128xf32> to vector<2048x128xf32>
    %add3A_462 = arith.addf %broadcast_in_dim3A_4, %add3A_461 : vector<2048x128xf32>
    %sub3A_463 = arith.subf %add3A_462, %slice3A_459 : vector<2048x128xf32>
    %lt3A_464 = arith.cmpf olt, %sub3A_463, %min3A_458 : vector<2048x128xf32>
    %jit3A_465 = arith.constant 43 : i32
    %broadcast_in_dim3A_466 = vector.broadcast %jit3A_465 : i32 to vector<2048x128xi32>
    %select_n3A_467 = arith.select %lt3A_464, %broadcast_in_dim3A_466, %select_n3A_457 : vector<2048x128xi1>, vector<2048x128xi32>
    %min3A_468 = arith.minimumf %min3A_458, %sub3A_463 : vector<2048x128xf32>
    %slice3A_469 = vector.extract_strided_slice %dot_general3A_345 {offsets = [0, 1536], sizes = [2048, 128], strides = [1, 1]} : vector<2048x2048xf32> to vector<2048x128xf32>
    %slice3A_470 = vector.extract_strided_slice %get3A_348 {offsets = [0, 1536], sizes = [1, 128], strides = [1, 1]} : vector<1x2048xf32> to vector<1x128xf32>
    %add3A_471 = vector.broadcast %slice3A_470 : vector<1x128xf32> to vector<2048x128xf32>
    %add3A_472 = arith.addf %broadcast_in_dim3A_4, %add3A_471 : vector<2048x128xf32>
    %sub3A_473 = arith.subf %add3A_472, %slice3A_469 : vector<2048x128xf32>
    %lt3A_474 = arith.cmpf olt, %sub3A_473, %min3A_468 : vector<2048x128xf32>
    %jit3A_475 = arith.constant 44 : i32
    %broadcast_in_dim3A_476 = vector.broadcast %jit3A_475 : i32 to vector<2048x128xi32>
    %select_n3A_477 = arith.select %lt3A_474, %broadcast_in_dim3A_476, %select_n3A_467 : vector<2048x128xi1>, vector<2048x128xi32>
    %min3A_478 = arith.minimumf %min3A_468, %sub3A_473 : vector<2048x128xf32>
    %slice3A_479 = vector.extract_strided_slice %dot_general3A_345 {offsets = [0, 1664], sizes = [2048, 128], strides = [1, 1]} : vector<2048x2048xf32> to vector<2048x128xf32>
    %slice3A_480 = vector.extract_strided_slice %get3A_348 {offsets = [0, 1664], sizes = [1, 128], strides = [1, 1]} : vector<1x2048xf32> to vector<1x128xf32>
    %add3A_481 = vector.broadcast %slice3A_480 : vector<1x128xf32> to vector<2048x128xf32>
    %add3A_482 = arith.addf %broadcast_in_dim3A_4, %add3A_481 : vector<2048x128xf32>
    %sub3A_483 = arith.subf %add3A_482, %slice3A_479 : vector<2048x128xf32>
    %lt3A_484 = arith.cmpf olt, %sub3A_483, %min3A_478 : vector<2048x128xf32>
    %jit3A_485 = arith.constant 45 : i32
    %broadcast_in_dim3A_486 = vector.broadcast %jit3A_485 : i32 to vector<2048x128xi32>
    %select_n3A_487 = arith.select %lt3A_484, %broadcast_in_dim3A_486, %select_n3A_477 : vector<2048x128xi1>, vector<2048x128xi32>
    %min3A_488 = arith.minimumf %min3A_478, %sub3A_483 : vector<2048x128xf32>
    %slice3A_489 = vector.extract_strided_slice %dot_general3A_345 {offsets = [0, 1792], sizes = [2048, 128], strides = [1, 1]} : vector<2048x2048xf32> to vector<2048x128xf32>
    %slice3A_490 = vector.extract_strided_slice %get3A_348 {offsets = [0, 1792], sizes = [1, 128], strides = [1, 1]} : vector<1x2048xf32> to vector<1x128xf32>
    %add3A_491 = vector.broadcast %slice3A_490 : vector<1x128xf32> to vector<2048x128xf32>
    %add3A_492 = arith.addf %broadcast_in_dim3A_4, %add3A_491 : vector<2048x128xf32>
    %sub3A_493 = arith.subf %add3A_492, %slice3A_489 : vector<2048x128xf32>
    %lt3A_494 = arith.cmpf olt, %sub3A_493, %min3A_488 : vector<2048x128xf32>
    %jit3A_495 = arith.constant 46 : i32
    %broadcast_in_dim3A_496 = vector.broadcast %jit3A_495 : i32 to vector<2048x128xi32>
    %select_n3A_497 = arith.select %lt3A_494, %broadcast_in_dim3A_496, %select_n3A_487 : vector<2048x128xi1>, vector<2048x128xi32>
    %min3A_498 = arith.minimumf %min3A_488, %sub3A_493 : vector<2048x128xf32>
    %slice3A_499 = vector.extract_strided_slice %dot_general3A_345 {offsets = [0, 1920], sizes = [2048, 128], strides = [1, 1]} : vector<2048x2048xf32> to vector<2048x128xf32>
    %slice3A_500 = vector.extract_strided_slice %get3A_348 {offsets = [0, 1920], sizes = [1, 128], strides = [1, 1]} : vector<1x2048xf32> to vector<1x128xf32>
    %add3A_501 = vector.broadcast %slice3A_500 : vector<1x128xf32> to vector<2048x128xf32>
    %add3A_502 = arith.addf %broadcast_in_dim3A_4, %add3A_501 : vector<2048x128xf32>
    %sub3A_503 = arith.subf %add3A_502, %slice3A_499 : vector<2048x128xf32>
    %lt3A_504 = arith.cmpf olt, %sub3A_503, %min3A_498 : vector<2048x128xf32>
    %jit3A_505 = arith.constant 47 : i32
    %broadcast_in_dim3A_506 = vector.broadcast %jit3A_505 : i32 to vector<2048x128xi32>
    %select_n3A_507 = arith.select %lt3A_504, %broadcast_in_dim3A_506, %select_n3A_497 : vector<2048x128xi1>, vector<2048x128xi32>
    %min3A_508 = arith.minimumf %min3A_498, %sub3A_503 : vector<2048x128xf32>
    %get3A_509 = arith.constant 6144 : index
    %get3A_510 = arith.constant 0 : index
    %get3A_511 = vector.load %arg2[%get3A_509, %get3A_510] : memref<8192x256xf32, #tpu.memory_space<vmem>>, vector<2048x256xf32>
    %convert_element_type3A_512 = arith.truncf %get3A_511 : vector<2048x256xf32> to vector<2048x256xbf16>
    %dot_general3A_513 = arith.constant dense<0.000000e+00> : vector<2048x2048xf32>
    %dot_general3A_514 = tpu.matmul %convert_element_type3A, %convert_element_type3A_512, %dot_general3A_513 {dimension_numbers = #tpu.dot_dimension_numbers<[1], [1], [0], [0], [0, 0, 1, 0], [], []>, transpose_lhs_hint = false} : vector<2048x256xbf16>, vector<2048x256xbf16>, vector<2048x2048xf32> -> vector<2048x2048xf32>
    %get3A_515 = arith.constant 0 : index
    %get3A_516 = arith.constant 6144 : index
    %get3A_517 = vector.load %arg3[%get3A_515, %get3A_516] : memref<1x8192xf32, #tpu.memory_space<vmem>>, vector<1x2048xf32>
    %slice3A_518 = vector.extract_strided_slice %dot_general3A_514 {offsets = [0, 0], sizes = [2048, 128], strides = [1, 1]} : vector<2048x2048xf32> to vector<2048x128xf32>
    %slice3A_519 = vector.extract_strided_slice %get3A_517 {offsets = [0, 0], sizes = [1, 128], strides = [1, 1]} : vector<1x2048xf32> to vector<1x128xf32>
    %add3A_520 = vector.broadcast %slice3A_519 : vector<1x128xf32> to vector<2048x128xf32>
    %add3A_521 = arith.addf %broadcast_in_dim3A_4, %add3A_520 : vector<2048x128xf32>
    %sub3A_522 = arith.subf %add3A_521, %slice3A_518 : vector<2048x128xf32>
    %lt3A_523 = arith.cmpf olt, %sub3A_522, %min3A_508 : vector<2048x128xf32>
    %jit3A_524 = arith.constant 48 : i32
    %broadcast_in_dim3A_525 = vector.broadcast %jit3A_524 : i32 to vector<2048x128xi32>
    %select_n3A_526 = arith.select %lt3A_523, %broadcast_in_dim3A_525, %select_n3A_507 : vector<2048x128xi1>, vector<2048x128xi32>
    %min3A_527 = arith.minimumf %min3A_508, %sub3A_522 : vector<2048x128xf32>
    %slice3A_528 = vector.extract_strided_slice %dot_general3A_514 {offsets = [0, 128], sizes = [2048, 128], strides = [1, 1]} : vector<2048x2048xf32> to vector<2048x128xf32>
    %slice3A_529 = vector.extract_strided_slice %get3A_517 {offsets = [0, 128], sizes = [1, 128], strides = [1, 1]} : vector<1x2048xf32> to vector<1x128xf32>
    %add3A_530 = vector.broadcast %slice3A_529 : vector<1x128xf32> to vector<2048x128xf32>
    %add3A_531 = arith.addf %broadcast_in_dim3A_4, %add3A_530 : vector<2048x128xf32>
    %sub3A_532 = arith.subf %add3A_531, %slice3A_528 : vector<2048x128xf32>
    %lt3A_533 = arith.cmpf olt, %sub3A_532, %min3A_527 : vector<2048x128xf32>
    %jit3A_534 = arith.constant 49 : i32
    %broadcast_in_dim3A_535 = vector.broadcast %jit3A_534 : i32 to vector<2048x128xi32>
    %select_n3A_536 = arith.select %lt3A_533, %broadcast_in_dim3A_535, %select_n3A_526 : vector<2048x128xi1>, vector<2048x128xi32>
    %min3A_537 = arith.minimumf %min3A_527, %sub3A_532 : vector<2048x128xf32>
    %slice3A_538 = vector.extract_strided_slice %dot_general3A_514 {offsets = [0, 256], sizes = [2048, 128], strides = [1, 1]} : vector<2048x2048xf32> to vector<2048x128xf32>
    %slice3A_539 = vector.extract_strided_slice %get3A_517 {offsets = [0, 256], sizes = [1, 128], strides = [1, 1]} : vector<1x2048xf32> to vector<1x128xf32>
    %add3A_540 = vector.broadcast %slice3A_539 : vector<1x128xf32> to vector<2048x128xf32>
    %add3A_541 = arith.addf %broadcast_in_dim3A_4, %add3A_540 : vector<2048x128xf32>
    %sub3A_542 = arith.subf %add3A_541, %slice3A_538 : vector<2048x128xf32>
    %lt3A_543 = arith.cmpf olt, %sub3A_542, %min3A_537 : vector<2048x128xf32>
    %jit3A_544 = arith.constant 50 : i32
    %broadcast_in_dim3A_545 = vector.broadcast %jit3A_544 : i32 to vector<2048x128xi32>
    %select_n3A_546 = arith.select %lt3A_543, %broadcast_in_dim3A_545, %select_n3A_536 : vector<2048x128xi1>, vector<2048x128xi32>
    %min3A_547 = arith.minimumf %min3A_537, %sub3A_542 : vector<2048x128xf32>
    %slice3A_548 = vector.extract_strided_slice %dot_general3A_514 {offsets = [0, 384], sizes = [2048, 128], strides = [1, 1]} : vector<2048x2048xf32> to vector<2048x128xf32>
    %slice3A_549 = vector.extract_strided_slice %get3A_517 {offsets = [0, 384], sizes = [1, 128], strides = [1, 1]} : vector<1x2048xf32> to vector<1x128xf32>
    %add3A_550 = vector.broadcast %slice3A_549 : vector<1x128xf32> to vector<2048x128xf32>
    %add3A_551 = arith.addf %broadcast_in_dim3A_4, %add3A_550 : vector<2048x128xf32>
    %sub3A_552 = arith.subf %add3A_551, %slice3A_548 : vector<2048x128xf32>
    %lt3A_553 = arith.cmpf olt, %sub3A_552, %min3A_547 : vector<2048x128xf32>
    %jit3A_554 = arith.constant 51 : i32
    %broadcast_in_dim3A_555 = vector.broadcast %jit3A_554 : i32 to vector<2048x128xi32>
    %select_n3A_556 = arith.select %lt3A_553, %broadcast_in_dim3A_555, %select_n3A_546 : vector<2048x128xi1>, vector<2048x128xi32>
    %min3A_557 = arith.minimumf %min3A_547, %sub3A_552 : vector<2048x128xf32>
    %slice3A_558 = vector.extract_strided_slice %dot_general3A_514 {offsets = [0, 512], sizes = [2048, 128], strides = [1, 1]} : vector<2048x2048xf32> to vector<2048x128xf32>
    %slice3A_559 = vector.extract_strided_slice %get3A_517 {offsets = [0, 512], sizes = [1, 128], strides = [1, 1]} : vector<1x2048xf32> to vector<1x128xf32>
    %add3A_560 = vector.broadcast %slice3A_559 : vector<1x128xf32> to vector<2048x128xf32>
    %add3A_561 = arith.addf %broadcast_in_dim3A_4, %add3A_560 : vector<2048x128xf32>
    %sub3A_562 = arith.subf %add3A_561, %slice3A_558 : vector<2048x128xf32>
    %lt3A_563 = arith.cmpf olt, %sub3A_562, %min3A_557 : vector<2048x128xf32>
    %jit3A_564 = arith.constant 52 : i32
    %broadcast_in_dim3A_565 = vector.broadcast %jit3A_564 : i32 to vector<2048x128xi32>
    %select_n3A_566 = arith.select %lt3A_563, %broadcast_in_dim3A_565, %select_n3A_556 : vector<2048x128xi1>, vector<2048x128xi32>
    %min3A_567 = arith.minimumf %min3A_557, %sub3A_562 : vector<2048x128xf32>
    %slice3A_568 = vector.extract_strided_slice %dot_general3A_514 {offsets = [0, 640], sizes = [2048, 128], strides = [1, 1]} : vector<2048x2048xf32> to vector<2048x128xf32>
    %slice3A_569 = vector.extract_strided_slice %get3A_517 {offsets = [0, 640], sizes = [1, 128], strides = [1, 1]} : vector<1x2048xf32> to vector<1x128xf32>
    %add3A_570 = vector.broadcast %slice3A_569 : vector<1x128xf32> to vector<2048x128xf32>
    %add3A_571 = arith.addf %broadcast_in_dim3A_4, %add3A_570 : vector<2048x128xf32>
    %sub3A_572 = arith.subf %add3A_571, %slice3A_568 : vector<2048x128xf32>
    %lt3A_573 = arith.cmpf olt, %sub3A_572, %min3A_567 : vector<2048x128xf32>
    %jit3A_574 = arith.constant 53 : i32
    %broadcast_in_dim3A_575 = vector.broadcast %jit3A_574 : i32 to vector<2048x128xi32>
    %select_n3A_576 = arith.select %lt3A_573, %broadcast_in_dim3A_575, %select_n3A_566 : vector<2048x128xi1>, vector<2048x128xi32>
    %min3A_577 = arith.minimumf %min3A_567, %sub3A_572 : vector<2048x128xf32>
    %slice3A_578 = vector.extract_strided_slice %dot_general3A_514 {offsets = [0, 768], sizes = [2048, 128], strides = [1, 1]} : vector<2048x2048xf32> to vector<2048x128xf32>
    %slice3A_579 = vector.extract_strided_slice %get3A_517 {offsets = [0, 768], sizes = [1, 128], strides = [1, 1]} : vector<1x2048xf32> to vector<1x128xf32>
    %add3A_580 = vector.broadcast %slice3A_579 : vector<1x128xf32> to vector<2048x128xf32>
    %add3A_581 = arith.addf %broadcast_in_dim3A_4, %add3A_580 : vector<2048x128xf32>
    %sub3A_582 = arith.subf %add3A_581, %slice3A_578 : vector<2048x128xf32>
    %lt3A_583 = arith.cmpf olt, %sub3A_582, %min3A_577 : vector<2048x128xf32>
    %jit3A_584 = arith.constant 54 : i32
    %broadcast_in_dim3A_585 = vector.broadcast %jit3A_584 : i32 to vector<2048x128xi32>
    %select_n3A_586 = arith.select %lt3A_583, %broadcast_in_dim3A_585, %select_n3A_576 : vector<2048x128xi1>, vector<2048x128xi32>
    %min3A_587 = arith.minimumf %min3A_577, %sub3A_582 : vector<2048x128xf32>
    %slice3A_588 = vector.extract_strided_slice %dot_general3A_514 {offsets = [0, 896], sizes = [2048, 128], strides = [1, 1]} : vector<2048x2048xf32> to vector<2048x128xf32>
    %slice3A_589 = vector.extract_strided_slice %get3A_517 {offsets = [0, 896], sizes = [1, 128], strides = [1, 1]} : vector<1x2048xf32> to vector<1x128xf32>
    %add3A_590 = vector.broadcast %slice3A_589 : vector<1x128xf32> to vector<2048x128xf32>
    %add3A_591 = arith.addf %broadcast_in_dim3A_4, %add3A_590 : vector<2048x128xf32>
    %sub3A_592 = arith.subf %add3A_591, %slice3A_588 : vector<2048x128xf32>
    %lt3A_593 = arith.cmpf olt, %sub3A_592, %min3A_587 : vector<2048x128xf32>
    %jit3A_594 = arith.constant 55 : i32
    %broadcast_in_dim3A_595 = vector.broadcast %jit3A_594 : i32 to vector<2048x128xi32>
    %select_n3A_596 = arith.select %lt3A_593, %broadcast_in_dim3A_595, %select_n3A_586 : vector<2048x128xi1>, vector<2048x128xi32>
    %min3A_597 = arith.minimumf %min3A_587, %sub3A_592 : vector<2048x128xf32>
    %slice3A_598 = vector.extract_strided_slice %dot_general3A_514 {offsets = [0, 1024], sizes = [2048, 128], strides = [1, 1]} : vector<2048x2048xf32> to vector<2048x128xf32>
    %slice3A_599 = vector.extract_strided_slice %get3A_517 {offsets = [0, 1024], sizes = [1, 128], strides = [1, 1]} : vector<1x2048xf32> to vector<1x128xf32>
    %add3A_600 = vector.broadcast %slice3A_599 : vector<1x128xf32> to vector<2048x128xf32>
    %add3A_601 = arith.addf %broadcast_in_dim3A_4, %add3A_600 : vector<2048x128xf32>
    %sub3A_602 = arith.subf %add3A_601, %slice3A_598 : vector<2048x128xf32>
    %lt3A_603 = arith.cmpf olt, %sub3A_602, %min3A_597 : vector<2048x128xf32>
    %jit3A_604 = arith.constant 56 : i32
    %broadcast_in_dim3A_605 = vector.broadcast %jit3A_604 : i32 to vector<2048x128xi32>
    %select_n3A_606 = arith.select %lt3A_603, %broadcast_in_dim3A_605, %select_n3A_596 : vector<2048x128xi1>, vector<2048x128xi32>
    %min3A_607 = arith.minimumf %min3A_597, %sub3A_602 : vector<2048x128xf32>
    %slice3A_608 = vector.extract_strided_slice %dot_general3A_514 {offsets = [0, 1152], sizes = [2048, 128], strides = [1, 1]} : vector<2048x2048xf32> to vector<2048x128xf32>
    %slice3A_609 = vector.extract_strided_slice %get3A_517 {offsets = [0, 1152], sizes = [1, 128], strides = [1, 1]} : vector<1x2048xf32> to vector<1x128xf32>
    %add3A_610 = vector.broadcast %slice3A_609 : vector<1x128xf32> to vector<2048x128xf32>
    %add3A_611 = arith.addf %broadcast_in_dim3A_4, %add3A_610 : vector<2048x128xf32>
    %sub3A_612 = arith.subf %add3A_611, %slice3A_608 : vector<2048x128xf32>
    %lt3A_613 = arith.cmpf olt, %sub3A_612, %min3A_607 : vector<2048x128xf32>
    %jit3A_614 = arith.constant 57 : i32
    %broadcast_in_dim3A_615 = vector.broadcast %jit3A_614 : i32 to vector<2048x128xi32>
    %select_n3A_616 = arith.select %lt3A_613, %broadcast_in_dim3A_615, %select_n3A_606 : vector<2048x128xi1>, vector<2048x128xi32>
    %min3A_617 = arith.minimumf %min3A_607, %sub3A_612 : vector<2048x128xf32>
    %slice3A_618 = vector.extract_strided_slice %dot_general3A_514 {offsets = [0, 1280], sizes = [2048, 128], strides = [1, 1]} : vector<2048x2048xf32> to vector<2048x128xf32>
    %slice3A_619 = vector.extract_strided_slice %get3A_517 {offsets = [0, 1280], sizes = [1, 128], strides = [1, 1]} : vector<1x2048xf32> to vector<1x128xf32>
    %add3A_620 = vector.broadcast %slice3A_619 : vector<1x128xf32> to vector<2048x128xf32>
    %add3A_621 = arith.addf %broadcast_in_dim3A_4, %add3A_620 : vector<2048x128xf32>
    %sub3A_622 = arith.subf %add3A_621, %slice3A_618 : vector<2048x128xf32>
    %lt3A_623 = arith.cmpf olt, %sub3A_622, %min3A_617 : vector<2048x128xf32>
    %jit3A_624 = arith.constant 58 : i32
    %broadcast_in_dim3A_625 = vector.broadcast %jit3A_624 : i32 to vector<2048x128xi32>
    %select_n3A_626 = arith.select %lt3A_623, %broadcast_in_dim3A_625, %select_n3A_616 : vector<2048x128xi1>, vector<2048x128xi32>
    %min3A_627 = arith.minimumf %min3A_617, %sub3A_622 : vector<2048x128xf32>
    %slice3A_628 = vector.extract_strided_slice %dot_general3A_514 {offsets = [0, 1408], sizes = [2048, 128], strides = [1, 1]} : vector<2048x2048xf32> to vector<2048x128xf32>
    %slice3A_629 = vector.extract_strided_slice %get3A_517 {offsets = [0, 1408], sizes = [1, 128], strides = [1, 1]} : vector<1x2048xf32> to vector<1x128xf32>
    %add3A_630 = vector.broadcast %slice3A_629 : vector<1x128xf32> to vector<2048x128xf32>
    %add3A_631 = arith.addf %broadcast_in_dim3A_4, %add3A_630 : vector<2048x128xf32>
    %sub3A_632 = arith.subf %add3A_631, %slice3A_628 : vector<2048x128xf32>
    %lt3A_633 = arith.cmpf olt, %sub3A_632, %min3A_627 : vector<2048x128xf32>
    %jit3A_634 = arith.constant 59 : i32
    %broadcast_in_dim3A_635 = vector.broadcast %jit3A_634 : i32 to vector<2048x128xi32>
    %select_n3A_636 = arith.select %lt3A_633, %broadcast_in_dim3A_635, %select_n3A_626 : vector<2048x128xi1>, vector<2048x128xi32>
    %min3A_637 = arith.minimumf %min3A_627, %sub3A_632 : vector<2048x128xf32>
    %slice3A_638 = vector.extract_strided_slice %dot_general3A_514 {offsets = [0, 1536], sizes = [2048, 128], strides = [1, 1]} : vector<2048x2048xf32> to vector<2048x128xf32>
    %slice3A_639 = vector.extract_strided_slice %get3A_517 {offsets = [0, 1536], sizes = [1, 128], strides = [1, 1]} : vector<1x2048xf32> to vector<1x128xf32>
    %add3A_640 = vector.broadcast %slice3A_639 : vector<1x128xf32> to vector<2048x128xf32>
    %add3A_641 = arith.addf %broadcast_in_dim3A_4, %add3A_640 : vector<2048x128xf32>
    %sub3A_642 = arith.subf %add3A_641, %slice3A_638 : vector<2048x128xf32>
    %lt3A_643 = arith.cmpf olt, %sub3A_642, %min3A_637 : vector<2048x128xf32>
    %jit3A_644 = arith.constant 60 : i32
    %broadcast_in_dim3A_645 = vector.broadcast %jit3A_644 : i32 to vector<2048x128xi32>
    %select_n3A_646 = arith.select %lt3A_643, %broadcast_in_dim3A_645, %select_n3A_636 : vector<2048x128xi1>, vector<2048x128xi32>
    %min3A_647 = arith.minimumf %min3A_637, %sub3A_642 : vector<2048x128xf32>
    %slice3A_648 = vector.extract_strided_slice %dot_general3A_514 {offsets = [0, 1664], sizes = [2048, 128], strides = [1, 1]} : vector<2048x2048xf32> to vector<2048x128xf32>
    %slice3A_649 = vector.extract_strided_slice %get3A_517 {offsets = [0, 1664], sizes = [1, 128], strides = [1, 1]} : vector<1x2048xf32> to vector<1x128xf32>
    %add3A_650 = vector.broadcast %slice3A_649 : vector<1x128xf32> to vector<2048x128xf32>
    %add3A_651 = arith.addf %broadcast_in_dim3A_4, %add3A_650 : vector<2048x128xf32>
    %sub3A_652 = arith.subf %add3A_651, %slice3A_648 : vector<2048x128xf32>
    %lt3A_653 = arith.cmpf olt, %sub3A_652, %min3A_647 : vector<2048x128xf32>
    %jit3A_654 = arith.constant 61 : i32
    %broadcast_in_dim3A_655 = vector.broadcast %jit3A_654 : i32 to vector<2048x128xi32>
    %select_n3A_656 = arith.select %lt3A_653, %broadcast_in_dim3A_655, %select_n3A_646 : vector<2048x128xi1>, vector<2048x128xi32>
    %min3A_657 = arith.minimumf %min3A_647, %sub3A_652 : vector<2048x128xf32>
    %slice3A_658 = vector.extract_strided_slice %dot_general3A_514 {offsets = [0, 1792], sizes = [2048, 128], strides = [1, 1]} : vector<2048x2048xf32> to vector<2048x128xf32>
    %slice3A_659 = vector.extract_strided_slice %get3A_517 {offsets = [0, 1792], sizes = [1, 128], strides = [1, 1]} : vector<1x2048xf32> to vector<1x128xf32>
    %add3A_660 = vector.broadcast %slice3A_659 : vector<1x128xf32> to vector<2048x128xf32>
    %add3A_661 = arith.addf %broadcast_in_dim3A_4, %add3A_660 : vector<2048x128xf32>
    %sub3A_662 = arith.subf %add3A_661, %slice3A_658 : vector<2048x128xf32>
    %lt3A_663 = arith.cmpf olt, %sub3A_662, %min3A_657 : vector<2048x128xf32>
    %jit3A_664 = arith.constant 62 : i32
    %broadcast_in_dim3A_665 = vector.broadcast %jit3A_664 : i32 to vector<2048x128xi32>
    %select_n3A_666 = arith.select %lt3A_663, %broadcast_in_dim3A_665, %select_n3A_656 : vector<2048x128xi1>, vector<2048x128xi32>
    %min3A_667 = arith.minimumf %min3A_657, %sub3A_662 : vector<2048x128xf32>
    %slice3A_668 = vector.extract_strided_slice %dot_general3A_514 {offsets = [0, 1920], sizes = [2048, 128], strides = [1, 1]} : vector<2048x2048xf32> to vector<2048x128xf32>
    %slice3A_669 = vector.extract_strided_slice %get3A_517 {offsets = [0, 1920], sizes = [1, 128], strides = [1, 1]} : vector<1x2048xf32> to vector<1x128xf32>
    %add3A_670 = vector.broadcast %slice3A_669 : vector<1x128xf32> to vector<2048x128xf32>
    %add3A_671 = arith.addf %broadcast_in_dim3A_4, %add3A_670 : vector<2048x128xf32>
    %sub3A_672 = arith.subf %add3A_671, %slice3A_668 : vector<2048x128xf32>
    %lt3A_673 = arith.cmpf olt, %sub3A_672, %min3A_667 : vector<2048x128xf32>
    %jit3A_674 = arith.constant 63 : i32
    %broadcast_in_dim3A_675 = vector.broadcast %jit3A_674 : i32 to vector<2048x128xi32>
    %select_n3A_676 = arith.select %lt3A_673, %broadcast_in_dim3A_675, %select_n3A_666 : vector<2048x128xi1>, vector<2048x128xi32>
    %min3A_677 = arith.minimumf %min3A_667, %sub3A_672 : vector<2048x128xf32>
    %iota3A = tpu.iota {dimensions = array<i32: 1>} : vector<2048x128xi32>
    %mul3A_678 = arith.constant 128 : i32
    %mul3A_679 = vector.broadcast %mul3A_678 : i32 to vector<2048x128xi32>
    %mul3A_680 = arith.muli %select_n3A_676, %mul3A_679 : vector<2048x128xi32>
    %add3A_681 = arith.addi %mul3A_680, %iota3A : vector<2048x128xi32>
    %reduce_min3A = arith.constant dense<0x7F800000> : vector<2048xf32>
    %reduce_min3A_682 = vector.multi_reduction <minimumf>, %min3A_677, %reduce_min3A [1] : vector<2048x128xf32> to vector<2048xf32>
    %broadcast_in_dim3A_683 = vector.shape_cast %reduce_min3A_682 : vector<2048xf32> to vector<2048x1xf32>
    %eq3A = vector.broadcast %broadcast_in_dim3A_683 : vector<2048x1xf32> to vector<2048x128xf32>
    %eq3A_684 = arith.cmpf oeq, %min3A_677, %eq3A : vector<2048x128xf32>
    %jit3A_685 = arith.constant 1073741824 : i32
    %broadcast_in_dim3A_686 = vector.broadcast %jit3A_685 : i32 to vector<2048x128xi32>
    %select_n3A_687 = arith.select %eq3A_684, %add3A_681, %broadcast_in_dim3A_686 : vector<2048x128xi1>, vector<2048x128xi32>
    %reduce_min3A_688 = arith.constant dense<2147483647> : vector<2048xi32>
    %reduce_min3A_689 = vector.multi_reduction <minsi>, %select_n3A_687, %reduce_min3A_688 [1] : vector<2048x128xi32> to vector<2048xi32>
    %broadcast_in_dim3A_690 = vector.shape_cast %reduce_min3A_689 : vector<2048xi32> to vector<2048x1xi32>
    %reshape3A = vector.shape_cast %broadcast_in_dim3A_690 : vector<2048x1xi32> to vector<16x128xi32>
    %swap3A = arith.constant 0 : index
    %swap3A_691 = arith.constant 0 : index
    %swap3A_692 = arith.constant 0 : index
    %swap3A_693 = vector.load %arg4[%swap3A, %swap3A_691, %swap3A_692] : memref<1x16x128xi32, #tpu.memory_space<vmem>>, vector<1x16x128xi32>
    %swap3A_694 = vector.shape_cast %swap3A_693 : vector<1x16x128xi32> to vector<16x128xi32>
    %swap3A_695 = vector.shape_cast %reshape3A : vector<16x128xi32> to vector<1x16x128xi32>
    tpu.vector_store %arg4[%swap3A, %swap3A_691, %swap3A_692], %swap3A_695 {strides = array<i32>} : memref<1x16x128xi32, #tpu.memory_space<vmem>>, vector<1x16x128xi32>,
    %reduce_sum3A_696 = vector.shape_cast %broadcast_in_dim3A_683 : vector<2048x1xf32> to vector<1x2048x1xf32>
    %reduce_sum3A_697 = arith.constant dense<0.000000e+00> : vector<1xf32>
    %reduce_sum3A_698 = vector.multi_reduction <add>, %reduce_sum3A_696, %reduce_sum3A_697 [1, 2] : vector<1x2048x1xf32> to vector<1xf32>
    %reduce_sum3A_699 = vector.shape_cast %reduce_sum3A_698 : vector<1xf32> to vector<1x1x1xf32>
    %reduce_sum3A_700 = vector.extract %reduce_sum3A_699[0, 0, 0] : f32 from vector<1x1x1xf32>
    %eq3A_701 = arith.constant 0 : i32
    %eq3A_702 = arith.cmpi eq, %arg0, %eq3A_701 : i32
    %get3A_703 = arith.constant 0 : index
    %get3A_704 = arith.constant 0 : index
    %get3A_705 = memref.load %arg5[%get3A_703, %get3A_704] : memref<1x1xf32, #tpu.memory_space<smem>>
    %add3A_706 = arith.addf %get3A_705, %reduce_sum3A_700 : f32
    %select_n3A_707 = arith.select %eq3A_702, %reduce_sum3A_700, %add3A_706 : f32
    %eq3A_708 = arith.constant 3 : i32
    %eq3A_709 = arith.cmpi eq, %arg0, %eq3A_708 : i32
    %mul3A_710 = arith.constant 5.96046448E-7 : f32
    %mul3A_711 = arith.mulf %select_n3A_707, %mul3A_710 : f32
    %select_n3A_712 = arith.select %eq3A_709, %mul3A_711, %select_n3A_707 : f32
    %swap3A_713 = arith.constant 0 : index
    %swap3A_714 = arith.constant 0 : index
    %swap3A_715 = memref.load %arg5[%swap3A_713, %swap3A_714] : memref<1x1xf32, #tpu.memory_space<smem>>
    memref.store %select_n3A_712, %arg5[%swap3A_713, %swap3A_714] : memref<1x1xf32, #tpu.memory_space<smem>>
    return
  }
  func.func @transform_0(%arg0: i32) -> (i32, i32) {
    %c0_i32 = arith.constant 0 : i32
    %c0_i32_0 = arith.constant 0 : i32
    return %arg0, %c0_i32 : i32, i32
  }
  func.func @transform_1(%arg0: i32) -> (i32, i32) {
    %c0_i32 = arith.constant 0 : i32
    %c0_i32_0 = arith.constant 0 : i32
    %c0_i32_1 = arith.constant 0 : i32
    return %c0_i32, %c0_i32_0 : i32, i32
  }
  func.func @transform_2(%arg0: i32) -> (i32, i32) {
    %c0_i32 = arith.constant 0 : i32
    %c0_i32_0 = arith.constant 0 : i32
    %c0_i32_1 = arith.constant 0 : i32
    return %c0_i32, %c0_i32_0 : i32, i32
  }
  func.func @transform_3(%arg0: i32) -> (i32, i32, i32) {
    %c0_i32 = arith.constant 0 : i32
    %c0_i32_0 = arith.constant 0 : i32
    %c0_i32_1 = arith.constant 0 : i32
    return %arg0, %c0_i32, %c0_i32_0 : i32, i32, i32
  }
  func.func @transform_4(%arg0: i32) -> (i32, i32) {
    %c0_i32 = arith.constant 0 : i32
    %c0_i32_0 = arith.constant 0 : i32
    %c0_i32_1 = arith.constant 0 : i32
    return %c0_i32, %c0_i32_0 : i32, i32
  }
}

</mosaic_0001>

<sc_bundles>
// kernel: kernel.6.cloned.1.call-start
scs
__scs_entry_jumppad:
0x0: {  	(pc) =	sbr.rel $0x88, $3  }
0x1: {  	(tag) =	ssettag $0x0;
	lr =	simm.s32 $0x1  }
0x2: {  	[smem:$0x3F9F] =	sst lr;
	_ =	strace $0xD0000000  }
0x3: {  	_ = 	snop  }
0x4: {  	_ = 	snop  }
0x5: {  	_ = 	snop  }
0x6: {  	_ = 	snop  }
0x7: {  	_ = 	snop  }
__scs_overlays_trampoline_lowered:
0x8: {  	[smem:$0x3FAE] =	sst s0  }
0x9: {  	[smem:$0x3FAF] =	sst s1  }
0xa: {  	[smem:$0x3FB0] =	sst s2  }
0xb: {  	[smem:$0x3FB1] =	sst s3  }
0xc: {  	[smem:$0x3FB2] =	sst s4  }
0xd: {  	[smem:$0x3FB3] =	sst s5  }
0xe: {  	[smem:$0x3FB4] =	sst s6  }
0xf: {  	[smem:$0x3FB5] =	sst s7  }
0x10: {  	[smem:$0x3FB6] =	sst s8  }
0x11: {  	[smem:$0x3FB7] =	sst s9;
	s0 =	simm.s32 @!p0 $0x0  }
0x12: {  	s1 =	sld [smem:$0x3F9D];
	s0 =	simm.s32 @p0 $0x1  }
0x13: {  	[smem:$0x3FB8] =	sst s0;
	s0 =	simm.s32 @!p1 $0x0  }
0x14: {  	s2 =	sld [smem:$0x3F9C];
	s0 =	simm.s32 @p1 $0x1  }
0x15: {  	[smem:$0x3FB9] =	sst s0;
	s0 =	simm.s32 @!p2 $0x0  }
0x16: {  	s3 =	sld [smem:$0x3FDB];
	s0 =	simm.s32 @p2 $0x1  }
0x17: {  	s4 =	simm.s32 $0x1BF5;
	[smem:$0x3FBB] =	sst s0  }
0x18: {  	s0 =	sld [smem:$0x3F9E];
	_ =	swait.ge [sflag:s4], $0x0  }
0x19: {  	s7 =	sld [smem:$0x3F9F]  }
0x1a: {  	s8 =	sadd.s32 $0xFFFFE003, lr  }
0x1b: {  	s9 =	sadd.s32 $0xFFFFFEF7, lr;
	s5 =	simm.s32 $0xFFFFFFFF;
	p2 =	slt.u32 s8, $0xFFFFF086  }
0x1c: {  	p1 =	slt.u32 s9, $0xF7A;
	s5 =	simm.s32 @!p2 $0x0  }
0x1d: {  	s5 =	simm.s32 @p1 $0x1;
	p0 =	seq.s32 s7, s2  }
0x1e: {  	s7 =	smul.u32 @!p0 $0xF7A, s2;
	p2 =	seq.s32 @!p0 s5, $0x0  }
0x1f: {  	s9 =	smul.u32 $0xF7A, s1;
	s8 =	simm.s32 @!p0 $0x1BF5;
	p2 =	por !p2, p0  }
0x20: {  	[sflag:s8] =	ssyncset.s32 @!p0 $0xFFFFF086;
	s6 =	sadd.s32 @!p0 s3, s7;
	s7 =	simm.s32 @!p0 $0x108  }
0x21: {  	s3 =	sadd.s32 s3, s9;
	s6 =	sadd.s32 @!p0 $0x88, s6;
	s7 =	simm.s32 @p2 $0x1082  }
0x22: {  	[simem:s7], [sflag:s8] =	dma.local @!p0 [hbm:s6], $0xF7A  }
0x23: {  	s9 =	sor.u32 $0xD0000000, s2;
	s6 =	simm.s32 $0x108;
	_ =	swait.ge @!p0 [sflag:s8], $0x0  }
0x24: {  	s3 =	sadd.s32 $0x88, s3;
	s6 =	simm.s32 @!p1 $0x1082;
	[sflag:s4] =	ssyncset.s32 $0xFFFFF086  }
0x25: {  	[simem:s6], [sflag:s4] =	dma.local [hbm:s3], $0xF7A  }
0x26: {  	[smem:$0x3F9F] =	sst s1;
	(tag) =	ssettag s2;
	_ =	strace s9  }
0x27: {  	s1 =	sld [smem:$0x3FAF]  }
0x28: {  	s2 =	sld [smem:$0x3FB0]  }
0x29: {  	s4 =	sld [smem:$0x3FB2]  }
0x2a: {  	p0 =	seq.s32 s5, $0x0;
	s5 =	sld [smem:$0x3FB3]  }
0x2b: {  	s6 =	sld [smem:$0x3FB4]  }
0x2c: {  	s7 =	sld [smem:$0x3FB5]  }
0x2d: {  	s3 =	simm.s32 $0x108;
	s8 =	sld [smem:$0x3FB6]  }
0x2e: {  	s3 =	simm.s32 @!p0 $0x1082;
	s9 =	sld [smem:$0x3FB7]  }
0x2f: {  	lr =	sadd.s32 s0, s3;
	s0 =	sld [smem:$0x3FAE]  }
0x30: {  	s3 =	sld [smem:$0x3FB1]  }
0x31: {  	[smem:$0x3FBA] =	sst s10  }
0x32: {  	s10 =	sld [smem:$0x3FB8];
	_ =	sdelay $0x3  }
0x33: {  	p0 =	seq.s32 s10, $0x1;
	s10 =	sld [smem:$0x3FBA];
	_ =	sdelay $0x3  }
0x34: {  	[smem:$0x3FBA] =	sst s10  }
0x35: {  	s10 =	sld [smem:$0x3FB9];
	_ =	sdelay $0x3  }
0x36: {  	p1 =	seq.s32 s10, $0x1;
	s10 =	sld [smem:$0x3FBA];
	_ =	sdelay $0x3  }
0x37: {  	[smem:$0x3FBA] =	sst s10  }
0x38: {  	s10 =	sld [smem:$0x3FBB]  }
0x39: {  	_ = 	snop;
	(pc) =	sbr.ind lr, $3  }
0x3a: {  	_ = 	snop  }
0x3b: {  	_ = 	snop  }
0x3c: {  	p2 =	seq.s32 s10, $0x1;
	s10 =	sld [smem:$0x3FBA]  }
0x3d: {  	_ =	shalt  }
0x3e: {  	_ =	shalt  }
0x3f: {  	_ =	shalt  }
0x40: {  	_ =	shalt  }
0x41: {  	_ =	shalt  }
0x42: {  	_ =	shalt  }
0x43: {  	_ =	shalt  }
0x44: {  	_ =	shalt  }
0x45: {  	_ =	shalt  }
0x46: {  	_ =	shalt  }
0x47: {  	_ =	shalt  }
0x48: {  	_ =	shalt  }
0x49: {  	_ =	shalt  }
0x4a: {  	_ =	shalt  }
0x4b: {  	_ =	shalt  }
0x4c: {  	_ =	shalt  }
0x4d: {  	_ =	shalt  }
0x4e: {  	_ =	shalt  }
0x4f: {  	_ =	shalt  }
0x50: {  	_ =	shalt  }
0x51: {  	_ =	shalt  }
0x52: {  	_ =	shalt  }
0x53: {  	_ =	shalt  }
0x54: {  	_ =	shalt  }
0x55: {  	_ =	shalt  }
0x56: {  	_ =	shalt  }
0x57: {  	_ =	shalt  }
0x58: {  	_ =	shalt  }
0x59: {  	_ =	shalt  }
0x5a: {  	_ =	shalt  }
0x5b: {  	_ =	shalt  }
0x5c: {  	_ =	shalt  }
0x5d: {  	_ =	shalt  }
0x5e: {  	_ =	shalt  }
0x5f: {  	_ =	shalt  }
0x60: {  	_ =	shalt  }
0x61: {  	_ =	shalt  }
0x62: {  	_ =	shalt  }
0x63: {  	_ =	shalt  }
0x64: {  	_ =	shalt  }
0x65: {  	_ =	shalt  }
0x66: {  	_ =	shalt  }
0x67: {  	_ =	shalt  }
0x68: {  	_ =	shalt  }
0x69: {  	_ =	shalt  }
0x6a: {  	_ =	shalt  }
0x6b: {  	_ =	shalt  }
0x6c: {  	_ =	shalt  }
0x6d: {  	_ =	shalt  }
0x6e: {  	_ =	shalt  }
0x6f: {  	_ =	shalt  }
0x70: {  	_ =	shalt  }
0x71: {  	_ =	shalt  }
0x72: {  	_ =	shalt  }
0x73: {  	_ =	shalt  }
0x74: {  	_ =	shalt  }
0x75: {  	_ =	shalt  }
0x76: {  	_ =	shalt  }
0x77: {  	_ =	shalt  }
0x78: {  	_ =	shalt  }
0x79: {  	_ =	shalt  }
0x7a: {  	_ =	shalt  }
0x7b: {  	_ =	shalt  }
0x7c: {  	_ =	shalt  }
0x7d: {  	_ =	shalt  }
0x7e: {  	_ =	shalt  }
0x7f: {  	_ =	shalt  }
0x80: {  	_ =	shalt  }
0x81: {  	_ =	shalt  }
0x82: {  	_ =	shalt  }
0x83: {  	_ =	shalt  }
0x84: {  	_ =	shalt  }
0x85: {  	_ =	shalt  }
0x86: {  	_ =	shalt  }
0x87: {  	_ =	shalt  }
.Lfunc_end0:
.L_simem_size_0:
called_computation_lowered:
.L_overlay_start_0:
0x88: {  	s2 =	sld [smem:$0x3FD9]  }
0x89: {  	s3 =	sld [smem:$0x3FFE];
	_ =	sdelay $0x1  }
0x8a: {  	s1 =	srdreg.scid  }
0x8b: {  	s0 =	sand.u32 $0x1, s1  }
0x8c: {  	s14 =	sshll.u32 s0, $0xA;
	s2 =	sadd.s32 s3, s2  }
0x8d: {  	s2 =	sadd.s32 s2, s14  }
0x8e: {  	[smem:$0x3FC6] =	sst s2  }
0x8f: {  	_ = 	snop  }
0x90: {  	s2 =	sld [smem:$0x3FD0];
	_ =	sdelay $0x2  }
0x91: {  	s4 =	simm.s32 $0xA;
	s5 =	simm.s32 $0x10;
	s15 =	sld [smem:$0x3FC8]  }
0x92: {  	[smem:s5], [sflag:s4] =	dma.local [hbm:s2], $0x1  }
0x93: {  	_ =	swait.eq [sflag:s4], $0x1  }
0x94: {  	[sflag:s4] =	ssyncset.done $0x0  }
0x95: {  	[sflag:s4] =	ssyncadd.s32 $0xFFFFFFFF  }
0x96: {  	s16 =	sld [smem:$0x10];
	(tm) =	ssettm $0x1  }
0x97: {  	s17 =	sld [smem:$0x3FFB];
	_ =	sdelay $0x3  }
0x98: {  	_ =	strace s17  }
0x99: {  	s4 =	sld [smem:$0x3FFC];
	_ =	sdelay $0x3  }
0x9a: {  	_ =	strace s4  }
0x9b: {  	s4 =	sld [smem:$0x3FFD];
	_ =	sdelay $0x3  }
0x9c: {  	_ =	strace s4  }
0x9d: {  	_ =	strace $0x8FFFFFFF  }
0x9e: {  	s18 =	sld [smem:$0x3FDB];
	_ =	sdelay $0x1  }
0x9f: {  	s19 =	simm.s32 $_scs_section_size  }
0xa0: {  	s6 =	simm.s32 $_size__tile_overlayer_lowered;
	s7 =	simm.s32 $_tile_overlayer_lowered  }
0xa1: {  	s22 =	simm.s32 $0x1BFF;
	s21 =	sshll.u32 s7, $0x1;
	s4 =	sadd.s32 s19, s18  }
0xa2: {  	s8 =	simm.s32 $0x0;
	s20 =	sshll.u32 s6, $0x1;
	s6 =	sadd.s32 s21, s4  }
0xa3: {  	[timem:s8], [sflag:s22] =	dma.local [hbm:s6], s20  }
0xa4: {  	_ =	swait.ge [sflag:s22], s20  }
0xa5: {  	s5 =	ssub.s32 $0x0, s20;
	[sflag:s22] =	ssyncset.done $0x0  }
0xa6: {  	[sflag:s22] =	ssyncadd.s32 s5;
	_ =	sdelay $0x1  }
0xa7: {  	s23 =	simm.s32 $0x1B8B  }
0xa8: {  	_ =	swait.ge [sflag:s23], $0x1  }
0xa9: {  	[sflag:s23] =	ssyncset.done $0x0  }
0xaa: {  	s25 =	simm.s32 $0x1B8E;
	s24 =	sld [smem:$0x3FFE];
	[sflag:s23] =	ssyncadd.s32 $0xFFFFFFFF  }
0xab: {  	s26 =	simm.s32 $execute0_lowered;
	[smem:$0x3FD2] =	sst s25  }
0xac: {  	s6 =	sshll.u32 s26, $0x1;
	_ =	strace $0x80000046;
	[dreg:$0x1] =	wrdreg $0xFFFFFFFF  }
0xad: {  	s28 =	simm.s32 $_size_execute0_lowered;
	s4 =	sadd.s32 s4, s6;
	[dreg:$0x0] =	wrdreg $0x0  }
0xae: {  	s6 =	sshll.u32 s28, $0x1;
	[dreg:$0x2] =	wrdreg s4  }
0xaf: {  	[dreg:$0x3] =	wrdreg s6  }
0xb0: {  	[dreg:$0x4] =	wrdreg $0xC0  }
0xb1: {  	_ =	task [dreg:s8], $0x5FFFF  }
0xb2: {  	[dreg:$0x1] =	wrdreg $0xFFFFFFFF  }
0xb3: {  	[dreg:$0x0] =	wrdreg $0x60  }
0xb4: {  	[dreg:$0x2] =	wrdreg s15  }
0xb5: {  	[dreg:$0x3] =	wrdreg s24  }
0xb6: {  	[dreg:$0x4] =	wrdreg s16  }
0xb7: {  	[dreg:$0x5] =	wrdreg $0x9  }
0xb8: {  	_ =	task.clear_ibuf [dreg:s8], $0x6FFFF;
	_ =	strace $0x90000046  }
0xb9: {  	s29 =	simm.s32 $0x9;
	_ =	strace $0x80000048  }
0xba: {  	_ =	swait.ge [sflag:s29], $0x1  }
0xbb: {  	[sflag:s29] =	ssyncadd.s32 $0xFFFFFFFF  }
0xbc: {  	_ =	strace $0x90000048  }
0xbd: {  	_ =	sfence  }
0xbe: {  	s30 =	sld [smem:$0x0];
	_ =	sdelay $0x2  }
0xbf: {  	s31 =	sshll.u32 s1, $0xD;
	s1 =	sshrl.u32 s1, $0x2  }
0xc0: {  	s3 =	sand.u32 $0x4000, s31;
	s1 =	sadd.s32 s1, s30  }
0xc1: {  	s0 =	sor.u32 s3, s0;
	s1 =	sshll.u32 s1, $0x11  }
0xc2: {  	s0 =	sor.u32 s1, s0  }
0xc3: {  	s0 =	sadd.s32 $0x8F2B, s0  }
0xc4: {  	[sflag:s0] =	ssyncadd.remote.s32 $0x1  }
0xc5: {  	_ =	sfence.sel $0xFFFF  }
0xc6: {  	[dreg:$0x0] =	wrdreg $0xFFFFFFFF;
	(pc) =	sbr.abs _section_cstart, $3  }
0xc7: {  	[dreg:$0x1] =	wrdreg $0xFFFFFFFF  }
0xc8: {  	_ =	task.clear_ibuf [dreg:s8], $0x2FFFF;
	_ =	strace $0x9FFFFFFF  }
0xc9: {  	(tm) =	ssettm $0x7FFFFFFF  }
tec
execute0_lowered:
.L_overlay_start_1:
0x0: {  	(tag) =	ssettag $0x1  }
0x1: {  	s1 =	rddreg [dreg:$0x0]  }
0x2: {  	s0 =	rddreg [dreg:$0x1]  }
0x3: {  	s4 =	rddreg [dreg:$0x2]  }
0x4: {  	s3 =	srdreg.scid;
	s2 =	stileid.u32;
	s18 =	simm.s32 $0x80  }
0x5: {  	s19 =	simm.s32 $0x900;
	s20 =	simm.s32 $0x1100;
	s22 =	simm.s32 $0x1900  }
0x6: {  	s23 =	simm.s32 $0x2100;
	s24 =	simm.s32 $0x2900;
	s25 =	simm.s32 $0x3100  }
0x7: {  	s26 =	simm.s32 $0x3900;
	s5 =	sand.u32 $0x1, s3;
	s3 =	simm.s32 $0x0  }
0x8: {  	s10 =	simm.s32 $0x5900;
	s11 =	simm.s32 $0x6100;
	[smem:$0x7FF] =	sst s3  }
0x9: {  	s12 =	simm.s32 $0x6900;
	_ =	strace $0x80000047;
	[dreg:$0x8] =	wrdreg s18  }
0xa: {  	s13 =	simm.s32 $0x7100;
	s14 =	simm.s32 $0x7900;
	[dreg:$0x9] =	wrdreg s19  }
0xb: {  	s28 =	simm.s32 $0xE100;
	s29 =	simm.s32 $0xE900;
	[dreg:$0xa] =	wrdreg s20  }
0xc: {  	s30 =	simm.s32 $0xF100;
	s31 =	simm.s32 $0xF900;
	[dreg:$0xb] =	wrdreg s22  }
0xd: {  	s6 =	sshll.u32 s2, $0x9;
	s0 =	sadd.s32 $0x1000, s0;
	[dreg:$0xc] =	wrdreg s23  }
0xe: {  	s7 =	sshll.u32 s5, $0x8;
	s21 =	ssub.s32 $0x2, s5;
	[dreg:$0xd] =	wrdreg s24  }
0xf: {  	s6 =	sor.u32 s7, s6;
	s5 =	sshrl.u32 s21, $0x1;
	[dreg:$0xe] =	wrdreg s25  }
0x10: {  	[dreg:$0xf] =	wrdreg s26;
	s18 =	simm.s32 $0x9900;
	s19 =	simm.s32 $0xA100  }
0x11: {  	s20 =	simm.s32 $0xA900;
	s22 =	simm.s32 $0xB900;
	s23 =	simm.s32 $0xC100  }
0x12: {  	s24 =	simm.s32 $0xC900;
	s25 =	simm.s32 $0xD100;
	s26 =	simm.s32 $0xD900  }
0x13: {  	s7 =	sshrl.u32 s6, $0x3;
	s8 =	sor.u32 $0x80, s6;
	s6 =	sshll.u32 s6, $0x5  }
0x14: {  	s7 =	sadd.s32 s0, s7;
	s9 =	sshrl.u32 s8, $0x3;
	s15 =	sadd.s32 s4, s6  }
0x15: {  	s16 =	sshll.u32 s8, $0x5;
	s6 =	simm.s32 $0x100;
	[dreg:$0x4] =	wrdreg s7  }
0x16: {  	s8 =	simm.s32 $0x4900;
	s0 =	sadd.s32 s0, s9;
	[dreg:$0x6] =	wrdreg s15  }
0x17: {  	s17 =	sadd.s32 s4, s16;
	s4 =	ssub.s32 s21, s5;
	s5 =	simm.s32 $0x2  }
0x18: {  	v2 =	vlaneseq.u32;
	s9 =	simm.s32 $0x5100;
	s15 =	simm.s32 $0x8100;
	[dreg:$0x5] =	wrdreg s0  }
0x19: {  	vm0 =	vmmov $0xffff;
	v1 =	vshrl.u32 v2, $0x3;
	s16 =	simm.s32 $0x8900;
	s21 =	simm.s32 $0xB100;
	[dreg:$0x7] =	wrdreg s17  }
0x1a: {  	v0 =	vand.u32 $0x7, v2;
	v2 =	vor.u32 $0x8, v2;
	v1 =	vmul.u32 $0x8, v1;
	s4 =	smax.u32 s4, $0x1;
	s17 =	simm.s32 $0x9100;
	s0 =	simm.s32 $0x1  }
.LBB2_1:
0x1b: {  	s2 =	rddreg [dreg:$0x4]  }
0x1c: {  	[tilespmem:s3], [sflag:$0x2] =	stream.linear.gather [hbm4b:s2+s3], $0x80, $0x38;
	[tilespmem:$0x10100] =	vst v63  }
0x1d: {  	_ =	swait.ge [sflag:s5], $0x80  }
0x1e: {  	s2 =	rddreg [dreg:$0x5];
	[sflag:s5] =	ssyncset.done $0x0  }
0x1f: {  	s7 =	rddreg [dreg:$0x8];
	[sflag:s5] =	ssyncadd.s32 $0xFFFFFF80  }
0x20: {  	[tilespmem:s7], [sflag:$0x2] =	stream.linear.gather [hbm4b:s2+s3], $0x80, $0x38;
	[tilespmem:$0x10100] =	vst v63  }
0x21: {  	_ =	swait.ge [sflag:s5], $0x80  }
0x22: {  	[sflag:s5] =	ssyncset.done $0x0  }
0x23: {  	[sflag:s5] =	ssyncadd.s32 $0xFFFFFF80  }
0x24: {  	v3 =	vld [tilespmem:$0x0];
	_ =	sdelay $0x4  }
0x25: {  	v4 =	vshll.u32 v3, $0x1  }
0x26: {  	v3 =	vand.u32 $0x7, v3;
	v4 =	vand.u32 $0xFFFFFFF0, v4  }
0x27: {  	v3 =	vor.u32 v3, v4  }
0x28: {  	v4 =	vperm.xlane v3, v0;
	_ =	sdelay $0x1  }
0x29: {  	v3 =	vperm.xlane v3, v2;
	v4 =	vadd.s32 v1, v4;
	_ =	sdelay $0x1  }
0x2a: {  	v3 =	vadd.s32 v1, v3;
	_ =	sdelay $0x2  }
0x2b: {  	[tilespmem:s6], [sflag:$0x1] =	stream.indirect_vreg.gather [hbm4b:s1+s3], $0x80, v4, vm0, $0xb8;
	[tilespmem:$0x10100] =	vst v63  }
0x2c: {  	s7 =	rddreg [dreg:$0x9]  }
0x2d: {  	[tilespmem:s7], [sflag:$0x1] =	stream.indirect_vreg.gather [hbm4b:s1+s3], $0x80, v3, vm0, $0xb8;
	[tilespmem:$0x10100] =	vst v63  }
0x2e: {  	v3 =	vld [tilespmem:$0x10];
	_ =	sdelay $0x4  }
0x2f: {  	v49 =	vshll.u32 v3, $0x1  }
0x30: {  	v3 =	vand.u32 $0x7, v3;
	v4 =	vand.u32 $0xFFFFFFF0, v49  }
0x31: {  	v3 =	vor.u32 v3, v4  }
0x32: {  	v4 =	vperm.xlane v3, v0;
	_ =	sdelay $0x1  }
0x33: {  	v3 =	vperm.xlane v3, v2;
	v4 =	vadd.s32 v1, v4;
	_ =	sdelay $0x1  }
0x34: {  	v3 =	vadd.s32 v1, v3;
	_ =	sdelay $0x1  }
0x35: {  	s2 =	rddreg [dreg:$0xa]  }
0x36: {  	[tilespmem:s2], [sflag:$0x1] =	stream.indirect_vreg.gather [hbm4b:s1+s3], $0x80, v4, vm0, $0xb8;
	[tilespmem:$0x10100] =	vst v63  }
0x37: {  	s7 =	rddreg [dreg:$0xb]  }
0x38: {  	[tilespmem:s7], [sflag:$0x1] =	stream.indirect_vreg.gather [hbm4b:s1+s3], $0x80, v3, vm0, $0xb8;
	[tilespmem:$0x10100] =	vst v63  }
0x39: {  	v3 =	vld [tilespmem:$0x20];
	_ =	sdelay $0x4  }
0x3a: {  	v50 =	vshll.u32 v3, $0x1  }
0x3b: {  	v3 =	vand.u32 $0x7, v3;
	v4 =	vand.u32 $0xFFFFFFF0, v50  }
0x3c: {  	v3 =	vor.u32 v3, v4  }
0x3d: {  	v4 =	vperm.xlane v3, v0;
	_ =	sdelay $0x1  }
0x3e: {  	v3 =	vperm.xlane v3, v2;
	v4 =	vadd.s32 v1, v4;
	_ =	sdelay $0x1  }
0x3f: {  	v3 =	vadd.s32 v1, v3;
	_ =	sdelay $0x1  }
0x40: {  	s2 =	rddreg [dreg:$0xc]  }
0x41: {  	[tilespmem:s2], [sflag:$0x1] =	stream.indirect_vreg.gather [hbm4b:s1+s3], $0x80, v4, vm0, $0xb8;
	[tilespmem:$0x10100] =	vst v63  }
0x42: {  	s7 =	rddreg [dreg:$0xd]  }
0x43: {  	[tilespmem:s7], [sflag:$0x1] =	stream.indirect_vreg.gather [hbm4b:s1+s3], $0x80, v3, vm0, $0xb8;
	[tilespmem:$0x10100] =	vst v63  }
0x44: {  	v3 =	vld [tilespmem:$0x30];
	_ =	sdelay $0x4  }
0x45: {  	v51 =	vshll.u32 v3, $0x1  }
0x46: {  	v3 =	vand.u32 $0x7, v3;
	v4 =	vand.u32 $0xFFFFFFF0, v51  }
0x47: {  	v3 =	vor.u32 v3, v4  }
0x48: {  	v4 =	vperm.xlane v3, v0;
	_ =	sdelay $0x1  }
0x49: {  	v3 =	vperm.xlane v3, v2;
	v4 =	vadd.s32 v1, v4;
	_ =	sdelay $0x1  }
0x4a: {  	v3 =	vadd.s32 v1, v3;
	_ =	sdelay $0x1  }
0x4b: {  	s2 =	rddreg [dreg:$0xe]  }
0x4c: {  	[tilespmem:s2], [sflag:$0x1] =	stream.indirect_vreg.gather [hbm4b:s1+s3], $0x80, v4, vm0, $0xb8;
	[tilespmem:$0x10100] =	vst v63  }
0x4d: {  	s7 =	rddreg [dreg:$0xf]  }
0x4e: {  	[tilespmem:s7], [sflag:$0x1] =	stream.indirect_vreg.gather [hbm4b:s1+s3], $0x80, v3, vm0, $0xb8;
	[tilespmem:$0x10100] =	vst v63  }
0x4f: {  	v3 =	vld [tilespmem:$0x40];
	_ =	sdelay $0x4  }
0x50: {  	v52 =	vshll.u32 v3, $0x1  }
0x51: {  	v3 =	vand.u32 $0x7, v3;
	v4 =	vand.u32 $0xFFFFFFF0, v52  }
0x52: {  	v3 =	vor.u32 v3, v4  }
0x53: {  	v4 =	vperm.xlane v3, v0;
	_ =	sdelay $0x1  }
0x54: {  	v3 =	vperm.xlane v3, v2;
	v4 =	vadd.s32 v1, v4;
	_ =	sdelay $0x1  }
0x55: {  	v3 =	vadd.s32 v1, v3;
	_ =	sdelay $0x1  }
0x56: {  	s7 =	simm.s32 $0x4100  }
0x57: {  	[tilespmem:s7], [sflag:$0x1] =	stream.indirect_vreg.gather [hbm4b:s1+s3], $0x80, v4, vm0, $0xb8;
	[tilespmem:$0x10100] =	vst v63  }
0x58: {  	_ = 	snop  }
0x59: {  	[tilespmem:s8], [sflag:$0x1] =	stream.indirect_vreg.gather [hbm4b:s1+s3], $0x80, v3, vm0, $0xb8;
	[tilespmem:$0x10100] =	vst v63  }
0x5a: {  	v3 =	vld [tilespmem:$0x50];
	_ =	sdelay $0x4  }
0x5b: {  	v53 =	vshll.u32 v3, $0x1  }
0x5c: {  	v3 =	vand.u32 $0x7, v3;
	v4 =	vand.u32 $0xFFFFFFF0, v53  }
0x5d: {  	v3 =	vor.u32 v3, v4  }
0x5e: {  	v4 =	vperm.xlane v3, v0;
	_ =	sdelay $0x1  }
0x5f: {  	v3 =	vperm.xlane v3, v2;
	v4 =	vadd.s32 v1, v4;
	_ =	sdelay $0x1  }
0x60: {  	v3 =	vadd.s32 v1, v3;
	_ =	sdelay $0x2  }
0x61: {  	[tilespmem:s9], [sflag:$0x1] =	stream.indirect_vreg.gather [hbm4b:s1+s3], $0x80, v4, vm0, $0xb8;
	[tilespmem:$0x10100] =	vst v63  }
0x62: {  	_ = 	snop  }
0x63: {  	[tilespmem:s10], [sflag:$0x1] =	stream.indirect_vreg.gather [hbm4b:s1+s3], $0x80, v3, vm0, $0xb8;
	[tilespmem:$0x10100] =	vst v63  }
0x64: {  	v3 =	vld [tilespmem:$0x60];
	_ =	sdelay $0x4  }
0x65: {  	v54 =	vshll.u32 v3, $0x1  }
0x66: {  	v3 =	vand.u32 $0x7, v3;
	v4 =	vand.u32 $0xFFFFFFF0, v54  }
0x67: {  	v3 =	vor.u32 v3, v4  }
0x68: {  	v4 =	vperm.xlane v3, v0;
	_ =	sdelay $0x1  }
0x69: {  	v3 =	vperm.xlane v3, v2;
	v4 =	vadd.s32 v1, v4;
	_ =	sdelay $0x1  }
0x6a: {  	v3 =	vadd.s32 v1, v3;
	_ =	sdelay $0x2  }
0x6b: {  	[tilespmem:s11], [sflag:$0x1] =	stream.indirect_vreg.gather [hbm4b:s1+s3], $0x80, v4, vm0, $0xb8;
	[tilespmem:$0x10100] =	vst v63  }
0x6c: {  	_ = 	snop  }
0x6d: {  	[tilespmem:s12], [sflag:$0x1] =	stream.indirect_vreg.gather [hbm4b:s1+s3], $0x80, v3, vm0, $0xb8;
	[tilespmem:$0x10100] =	vst v63  }
0x6e: {  	v3 =	vld [tilespmem:$0x70];
	_ =	sdelay $0x4  }
0x6f: {  	v55 =	vshll.u32 v3, $0x1  }
0x70: {  	v3 =	vand.u32 $0x7, v3;
	v4 =	vand.u32 $0xFFFFFFF0, v55  }
0x71: {  	v3 =	vor.u32 v3, v4  }
0x72: {  	v4 =	vperm.xlane v3, v0;
	_ =	sdelay $0x1  }
0x73: {  	v3 =	vperm.xlane v3, v2;
	v4 =	vadd.s32 v1, v4;
	_ =	sdelay $0x1  }
0x74: {  	v3 =	vadd.s32 v1, v3;
	_ =	sdelay $0x2  }
0x75: {  	[tilespmem:s13], [sflag:$0x1] =	stream.indirect_vreg.gather [hbm4b:s1+s3], $0x80, v4, vm0, $0xb8;
	[tilespmem:$0x10100] =	vst v63  }
0x76: {  	_ = 	snop  }
0x77: {  	[tilespmem:s14], [sflag:$0x1] =	stream.indirect_vreg.gather [hbm4b:s1+s3], $0x80, v3, vm0, $0xb8;
	[tilespmem:$0x10100] =	vst v63  }
0x78: {  	v3 =	vld [tilespmem:$0x80];
	_ =	sdelay $0x4  }
0x79: {  	v56 =	vshll.u32 v3, $0x1  }
0x7a: {  	v3 =	vand.u32 $0x7, v3;
	v4 =	vand.u32 $0xFFFFFFF0, v56  }
0x7b: {  	v3 =	vor.u32 v3, v4  }
0x7c: {  	v4 =	vperm.xlane v3, v0;
	_ =	sdelay $0x1  }
0x7d: {  	v3 =	vperm.xlane v3, v2;
	v4 =	vadd.s32 v1, v4;
	_ =	sdelay $0x1  }
0x7e: {  	v3 =	vadd.s32 v1, v3;
	_ =	sdelay $0x2  }
0x7f: {  	[tilespmem:s15], [sflag:$0x1] =	stream.indirect_vreg.gather [hbm4b:s1+s3], $0x80, v4, vm0, $0xb8;
	[tilespmem:$0x10100] =	vst v63  }
0x80: {  	_ = 	snop  }
0x81: {  	[tilespmem:s16], [sflag:$0x1] =	stream.indirect_vreg.gather [hbm4b:s1+s3], $0x80, v3, vm0, $0xb8;
	[tilespmem:$0x10100] =	vst v63  }
0x82: {  	v3 =	vld [tilespmem:$0x90];
	_ =	sdelay $0x4  }
0x83: {  	v57 =	vshll.u32 v3, $0x1  }
0x84: {  	v3 =	vand.u32 $0x7, v3;
	v4 =	vand.u32 $0xFFFFFFF0, v57  }
0x85: {  	v3 =	vor.u32 v3, v4  }
0x86: {  	v4 =	vperm.xlane v3, v0;
	_ =	sdelay $0x1  }
0x87: {  	v3 =	vperm.xlane v3, v2;
	v4 =	vadd.s32 v1, v4;
	_ =	sdelay $0x1  }
0x88: {  	v3 =	vadd.s32 v1, v3;
	_ =	sdelay $0x2  }
0x89: {  	[tilespmem:s17], [sflag:$0x1] =	stream.indirect_vreg.gather [hbm4b:s1+s3], $0x80, v4, vm0, $0xb8;
	[tilespmem:$0x10100] =	vst v63  }
0x8a: {  	_ = 	snop  }
0x8b: {  	[tilespmem:s18], [sflag:$0x1] =	stream.indirect_vreg.gather [hbm4b:s1+s3], $0x80, v3, vm0, $0xb8;
	[tilespmem:$0x10100] =	vst v63  }
0x8c: {  	v3 =	vld [tilespmem:$0xA0];
	_ =	sdelay $0x4  }
0x8d: {  	v58 =	vshll.u32 v3, $0x1  }
0x8e: {  	v3 =	vand.u32 $0x7, v3;
	v4 =	vand.u32 $0xFFFFFFF0, v58  }
0x8f: {  	v3 =	vor.u32 v3, v4  }
0x90: {  	v4 =	vperm.xlane v3, v0;
	_ =	sdelay $0x1  }
0x91: {  	v3 =	vperm.xlane v3, v2;
	v4 =	vadd.s32 v1, v4;
	_ =	sdelay $0x1  }
0x92: {  	v3 =	vadd.s32 v1, v3;
	_ =	sdelay $0x2  }
0x93: {  	[tilespmem:s19], [sflag:$0x1] =	stream.indirect_vreg.gather [hbm4b:s1+s3], $0x80, v4, vm0, $0xb8;
	[tilespmem:$0x10100] =	vst v63  }
0x94: {  	_ = 	snop  }
0x95: {  	[tilespmem:s20], [sflag:$0x1] =	stream.indirect_vreg.gather [hbm4b:s1+s3], $0x80, v3, vm0, $0xb8;
	[tilespmem:$0x10100] =	vst v63  }
0x96: {  	v3 =	vld [tilespmem:$0xB0];
	_ =	sdelay $0x4  }
0x97: {  	v59 =	vshll.u32 v3, $0x1  }
0x98: {  	v3 =	vand.u32 $0x7, v3;
	v4 =	vand.u32 $0xFFFFFFF0, v59  }
0x99: {  	v3 =	vor.u32 v3, v4  }
0x9a: {  	v4 =	vperm.xlane v3, v0;
	_ =	sdelay $0x1  }
0x9b: {  	v3 =	vperm.xlane v3, v2;
	v4 =	vadd.s32 v1, v4;
	_ =	sdelay $0x1  }
0x9c: {  	v3 =	vadd.s32 v1, v3;
	_ =	sdelay $0x2  }
0x9d: {  	[tilespmem:s21], [sflag:$0x1] =	stream.indirect_vreg.gather [hbm4b:s1+s3], $0x80, v4, vm0, $0xb8;
	[tilespmem:$0x10100] =	vst v63  }
0x9e: {  	_ = 	snop  }
0x9f: {  	[tilespmem:s22], [sflag:$0x1] =	stream.indirect_vreg.gather [hbm4b:s1+s3], $0x80, v3, vm0, $0xb8;
	[tilespmem:$0x10100] =	vst v63  }
0xa0: {  	v3 =	vld [tilespmem:$0xC0];
	_ =	sdelay $0x4  }
0xa1: {  	v60 =	vshll.u32 v3, $0x1  }
0xa2: {  	v3 =	vand.u32 $0x7, v3;
	v4 =	vand.u32 $0xFFFFFFF0, v60  }
0xa3: {  	v3 =	vor.u32 v3, v4  }
0xa4: {  	v4 =	vperm.xlane v3, v0;
	_ =	sdelay $0x1  }
0xa5: {  	v3 =	vperm.xlane v3, v2;
	v4 =	vadd.s32 v1, v4;
	_ =	sdelay $0x1  }
0xa6: {  	v3 =	vadd.s32 v1, v3;
	_ =	sdelay $0x2  }
0xa7: {  	[tilespmem:s23], [sflag:$0x1] =	stream.indirect_vreg.gather [hbm4b:s1+s3], $0x80, v4, vm0, $0xb8;
	[tilespmem:$0x10100] =	vst v63  }
0xa8: {  	_ = 	snop  }
0xa9: {  	[tilespmem:s24], [sflag:$0x1] =	stream.indirect_vreg.gather [hbm4b:s1+s3], $0x80, v3, vm0, $0xb8;
	[tilespmem:$0x10100] =	vst v63  }
0xaa: {  	v3 =	vld [tilespmem:$0xD0];
	_ =	sdelay $0x4  }
0xab: {  	v61 =	vshll.u32 v3, $0x1  }
0xac: {  	v3 =	vand.u32 $0x7, v3;
	v4 =	vand.u32 $0xFFFFFFF0, v61  }
0xad: {  	v3 =	vor.u32 v3, v4  }
0xae: {  	v4 =	vperm.xlane v3, v0;
	_ =	sdelay $0x1  }
0xaf: {  	v3 =	vperm.xlane v3, v2;
	v4 =	vadd.s32 v1, v4;
	_ =	sdelay $0x1  }
0xb0: {  	v3 =	vadd.s32 v1, v3;
	_ =	sdelay $0x2  }
0xb1: {  	[tilespmem:s25], [sflag:$0x1] =	stream.indirect_vreg.gather [hbm4b:s1+s3], $0x80, v4, vm0, $0xb8;
	[tilespmem:$0x10100] =	vst v63  }
0xb2: {  	_ = 	snop  }
0xb3: {  	[tilespmem:s26], [sflag:$0x1] =	stream.indirect_vreg.gather [hbm4b:s1+s3], $0x80, v3, vm0, $0xb8;
	[tilespmem:$0x10100] =	vst v63  }
0xb4: {  	v3 =	vld [tilespmem:$0xE0];
	_ =	sdelay $0x4  }
0xb5: {  	v62 =	vshll.u32 v3, $0x1  }
0xb6: {  	v3 =	vand.u32 $0x7, v3;
	v4 =	vand.u32 $0xFFFFFFF0, v62  }
0xb7: {  	v3 =	vor.u32 v3, v4  }
0xb8: {  	v4 =	vperm.xlane v3, v0;
	_ =	sdelay $0x1  }
0xb9: {  	v3 =	vperm.xlane v3, v2;
	v4 =	vadd.s32 v1, v4;
	_ =	sdelay $0x1  }
0xba: {  	v3 =	vadd.s32 v1, v3;
	_ =	sdelay $0x2  }
0xbb: {  	[tilespmem:s28], [sflag:$0x1] =	stream.indirect_vreg.gather [hbm4b:s1+s3], $0x80, v4, vm0, $0xb8;
	[tilespmem:$0x10100] =	vst v63  }
0xbc: {  	_ = 	snop  }
0xbd: {  	[tilespmem:s29], [sflag:$0x1] =	stream.indirect_vreg.gather [hbm4b:s1+s3], $0x80, v3, vm0, $0xb8;
	[tilespmem:$0x10100] =	vst v63  }
0xbe: {  	v3 =	vld [tilespmem:$0xF0];
	_ =	sdelay $0x4  }
0xbf: {  	v63 =	vshll.u32 v3, $0x1  }
0xc0: {  	v3 =	vand.u32 $0x7, v3;
	v4 =	vand.u32 $0xFFFFFFF0, v63  }
0xc1: {  	v3 =	vor.u32 v3, v4  }
0xc2: {  	v4 =	vperm.xlane v3, v0;
	_ =	sdelay $0x1  }
0xc3: {  	v3 =	vperm.xlane v3, v2;
	v4 =	vadd.s32 v1, v4;
	_ =	sdelay $0x1  }
0xc4: {  	v3 =	vadd.s32 v1, v3;
	_ =	sdelay $0x2  }
0xc5: {  	[tilespmem:s30], [sflag:$0x1] =	stream.indirect_vreg.gather [hbm4b:s1+s3], $0x80, v4, vm0, $0xb8;
	[tilespmem:$0x10100] =	vst v63  }
0xc6: {  	_ = 	snop  }
0xc7: {  	[tilespmem:s31], [sflag:$0x1] =	stream.indirect_vreg.gather [hbm4b:s1+s3], $0x80, v3, vm0, $0xb8;
	[tilespmem:$0x10100] =	vst v63  }
0xc8: {  	_ =	swait.ge [sflag:s0], $0x8000  }
0xc9: {  	[sflag:s0] =	ssyncset.done $0x0  }
0xca: {  	s7 =	rddreg [dreg:$0x6];
	[sflag:s0] =	ssyncadd.s32 $0xFFFF8000  }
0xcb: {  	[hbm4b:s7+s3] =	stream.linear.scatter [tilespmem:s6], [sflag:$0x2], $0x8000, $0x38;
	[tilespmem:$0x10100] =	vst v63  }
0xcc: {  	_ =	swait.ge [sflag:s5], $0x8000  }
0xcd: {  	[sflag:s5] =	ssyncset.done $0x0  }
0xce: {  	[sflag:s5] =	ssyncadd.s32 $0xFFFF8000  }
0xcf: {  	_ =	swait.ge [sflag:s0], $0x8000  }
0xd0: {  	p0 =	sne.s32 s4, $0x1;
	[sflag:s0] =	ssyncset.done $0x0  }
.Ltmp0:
0xd1: {  	s7 =	rddreg [dreg:$0x7];
	[sflag:s0] =	ssyncadd.s32 $0xFFFF8000;
	(pc) =	sbr.rel @p0 .LBB2_1-.Ltmp0, $4  }
0xd2: {  	[hbm4b:s7+s3] =	stream.linear.scatter [tilespmem:s15], [sflag:$0x2], $0x8000, $0x38;
	[tilespmem:$0x10100] =	vst v63  }
0xd3: {  	_ =	swait.ge [sflag:s5], $0x8000  }
0xd4: {  	[sflag:s5] =	ssyncset.done $0x0  }
0xd5: {  	s4 =	sadd.s32 $0xFFFFFFFF, s4;
	[sflag:s5] =	ssyncadd.s32 $0xFFFF8000  }
0xd6: {  	_ =	sfence.sel $0x180000  }
0xd7: {  	[bflag:$0x0] =	sbarrier.arrive $0xFFFF  }
0xd8: {  	_ =	strace $0x90000047  }
0xd9: {  	s0 =	stileid.u32;
	[bflag:$0x2] =	sbarrier.arrive $0xFFFF  }
0xda: {  	p0 =	sne.s32 s0, $0x0;
	s0 =	rddreg [dreg:$0x3]  }
0xdb: {  	s0 =	sadd.s32 @!p0 $0x100000, s0  }
0xdc: {  	[sflag:s0] =	ssyncadd.tile.s32 @!p0 $0x1;
	_ =	shalt  }
.Lfunc_end2:
_tile_overlayer_lowered:
.L_overlay_start_2:
0xdd: {  	(tag) =	ssettag $0x2  }
0xde: {  	s0 =	rddreg [dreg:$0x0];
	s2 =	stileid.u32  }
0xdf: {  	s1 =	rddreg [dreg:$0x1];
	p0 =	sne.s32 s2, $0x0  }
0xe0: {  	s3 =	rddreg [dreg:$0x2];
	[bflag:$0x3] =	sbarrier.arrive $0xFFFF;
	s2 =	simm.s32 @!p0 $0x1C02  }
0xe1: {  	[timem:s3], [sflag:s2] =	dma.local @!p0 [hbm:s0], s1  }
0xe2: {  	s0 =	simm.s32 @!p0 $0x2  }
0xe3: {  	_ =	swait.ge @!p0 [sflag:s0], s1  }
0xe4: {  	s1 =	ssub.s32 @!p0 $0x0, s1;
	[sflag:s0] =	ssyncset.done @!p0 $0x0  }
0xe5: {  	[sflag:s0] =	ssyncadd.s32 @!p0 s1  }
0xe6: {  	[bflag:$0x3] =	sbarrier.arrive $0xFFFF  }
0xe7: {  	_ =	shalt  }

</sc_bundles>
